<compile_context>
chip_gen: v7x
topology: tpu7x:2x2x1
jax: 0.10.2.dev20260603
libtpu: 0.0.44.dev20260713+nightly
codegen_flags: <defaults>
</compile_context>

<pallas_src>
import functools

import jax
import jax.numpy as jnp
from jax import lax
from jax.experimental import pallas as pl
from jax.experimental.pallas import tpu as pltpu
from jax.experimental.pallas import tpu_sc as plsc

_B, _N, _CIN, _COUT, _K = 4, 4096, 64, 128, 16
_HID = _COUT // 2
_KP1 = _K + 1
_EPS = 1e-5
_ROWS = 256
_EPTS = 1024
_CB = 2048


def _lrelu(x):
    return jnp.where(x >= 0, x, 0.2 * x)


def _pre_kernel(f_ref, wpre_ref, wsc_ref, p_ref, scp_ref, ps_ref, ss_ref):
    b = pl.program_id(0)
    c = pl.program_id(1)

    @pl.when(jnp.logical_and(b == 0, c == 0))
    def _():
        ps_ref[...] = jnp.zeros_like(ps_ref)
        ss_ref[...] = jnp.zeros_like(ss_ref)

    fb = f_ref[0]
    p = jnp.dot(wpre_ref[...], fb, preferred_element_type=jnp.float32)
    sc = jnp.dot(wsc_ref[...], fb, preferred_element_type=jnp.float32)
    p_ref[0] = p
    scp_ref[0] = sc
    ps_ref[...] += jnp.concatenate(
        [jnp.sum(p, axis=1, keepdims=True), jnp.sum(p * p, axis=1, keepdims=True)], axis=1)
    ss_ref[...] += jnp.concatenate(
        [jnp.sum(sc, axis=1, keepdims=True), jnp.sum(sc * sc, axis=1, keepdims=True)], axis=1)


def _pre_pass(features, W_pre, W_sc):
    nc = _N // _CB
    return pl.pallas_call(
        _pre_kernel,
        grid=(_B, nc),
        in_specs=[
            pl.BlockSpec((1, _CIN, _CB), lambda b, c: (b, 0, c)),
            pl.BlockSpec((_HID, _CIN), lambda b, c: (0, 0)),
            pl.BlockSpec((_COUT, _CIN), lambda b, c: (0, 0)),
        ],
        out_specs=[
            pl.BlockSpec((1, _HID, _CB), lambda b, c: (b, 0, c)),
            pl.BlockSpec((1, _COUT, _CB), lambda b, c: (b, 0, c)),
            pl.BlockSpec((_HID, 2), lambda b, c: (0, 0)),
            pl.BlockSpec((_COUT, 2), lambda b, c: (0, 0)),
        ],
        out_shape=[
            jax.ShapeDtypeStruct((_B, _HID, _N), jnp.float32),
            jax.ShapeDtypeStruct((_B, _COUT, _N), jnp.float32),
            jax.ShapeDtypeStruct((_HID, 2), jnp.float32),
            jax.ShapeDtypeStruct((_COUT, 2), jnp.float32),
        ],
    )(features, W_pre, W_sc)


def _knn_kernel(xq_ref, xt_ref, idx_ref, dist_ref):
    b = pl.program_id(0)
    xq = xq_ref[0]
    xt = xt_ref[0]
    sqa = jnp.sum(xt * xt, axis=0, keepdims=True)
    sqq = jnp.sum(xq * xq, axis=1, keepdims=True)
    mm = jnp.dot(xq.astype(jnp.bfloat16), xt.astype(jnp.bfloat16),
                 preferred_element_type=jnp.float32)
    d2 = jnp.maximum(sqq + sqa - 2.0 * mm, 0.0)

    iota = lax.broadcasted_iota(jnp.int32, (_ROWS, _N), 1)
    big = jnp.float32(jnp.inf)
    idxs, vals = [], []
    for _ in range(_KP1):
        m = jnp.min(d2, axis=1, keepdims=True)
        am = jnp.min(jnp.where(d2 == m, iota, _N), axis=1, keepdims=True)
        idxs.append(am)
        vals.append(m)
        d2 = jnp.where(iota == am, big, d2)
    idx_ref[0] = jnp.concatenate(idxs, axis=1) + b * _N
    dist_ref[0] = jnp.sqrt(jnp.concatenate(vals, axis=1))


def _knn_pass(xyz, xyzT):
    nr = _N // _ROWS
    return pl.pallas_call(
        _knn_kernel,
        grid=(_B, nr),
        in_specs=[
            pl.BlockSpec((1, _ROWS, 3), lambda b, r: (b, r, 0)),
            pl.BlockSpec((1, 3, _N), lambda b, r: (b, 0, 0)),
        ],
        out_specs=[
            pl.BlockSpec((1, _ROWS, _KP1), lambda b, r: (b, r, 0)),
            pl.BlockSpec((1, _ROWS, _KP1), lambda b, r: (b, r, 0)),
        ],
        out_shape=[
            jax.ShapeDtypeStruct((_B, _N, _KP1), jnp.int32),
            jax.ShapeDtypeStruct((_B, _N, _KP1), jnp.float32),
        ],
    )(xyz, xyzT)


def _fuv_kernel(p_ref, xt_ref, wn_ref, wcm_ref, wx_ref, s1_ref, t1_ref,
                u_ref, v_ref):
    p = p_ref[0]
    x = xt_ref[0]
    f = _lrelu(p * s1_ref[...] + t1_ref[...])
    wx = wx_ref[...]
    gx = (wx[:, 0:1] * x[0:1, :] + wx[:, 1:2] * x[1:2, :]
          + wx[:, 2:3] * x[2:3, :])
    u_ref[0] = jnp.dot(wn_ref[...], f, preferred_element_type=jnp.float32) + gx
    v_ref[0] = jnp.dot(wcm_ref[...], f, preferred_element_type=jnp.float32) - gx


def _fuv_pass(P, xyzT, Wn, Wcm, Wx, s1, t1):
    nc = _N // _CB
    return pl.pallas_call(
        _fuv_kernel,
        grid=(_B, nc),
        in_specs=[
            pl.BlockSpec((1, _HID, _CB), lambda b, c: (b, 0, c)),
            pl.BlockSpec((1, 3, _CB), lambda b, c: (b, 0, c)),
            pl.BlockSpec((_COUT, _HID), lambda b, c: (0, 0)),
            pl.BlockSpec((_COUT, _HID), lambda b, c: (0, 0)),
            pl.BlockSpec((_COUT, 3), lambda b, c: (0, 0)),
            pl.BlockSpec((_HID, 1), lambda b, c: (0, 0)),
            pl.BlockSpec((_HID, 1), lambda b, c: (0, 0)),
        ],
        out_specs=[
            pl.BlockSpec((1, _COUT, _CB), lambda b, c: (b, 0, c)),
            pl.BlockSpec((1, _COUT, _CB), lambda b, c: (b, 0, c)),
        ],
        out_shape=[
            jax.ShapeDtypeStruct((_B, _COUT, _N), jnp.float32),
            jax.ShapeDtypeStruct((_B, _COUT, _N), jnp.float32),
        ],
    )(P, xyzT, Wn, Wcm, Wx, s1, t1)


_SC_CHUNK = 512


def _gather_rows(table, idx):
    E = idx.shape[0]
    info = plsc.get_sparse_core_info()
    nw = info.num_cores * info.num_subcores
    per_w = E // nw
    nchunk = per_w // _SC_CHUNK
    mesh = plsc.VectorSubcoreMesh(core_axis_name="c", subcore_axis_name="s")

    @functools.partial(
        pl.kernel,
        out_type=jax.ShapeDtypeStruct((E, _COUT), jnp.float32),
        mesh=mesh,
        scratch_types=[
            pltpu.VMEM((_SC_CHUNK,), jnp.int32),
            pltpu.VMEM((_SC_CHUNK, _COUT), jnp.float32),
            pltpu.SemaphoreType.DMA,
        ],
    )
    def sc_gather(table_hbm, idx_hbm, out_hbm, idx_v, rows_v, sem):
        wid = lax.axis_index("s") * info.num_cores + lax.axis_index("c")
        base = wid * per_w
        for c in range(nchunk):
            off = base + c * _SC_CHUNK
            pltpu.sync_copy(idx_hbm.at[pl.ds(off, _SC_CHUNK)], idx_v)
            pltpu.async_copy(table_hbm.at[idx_v], rows_v, sem).wait()
            pltpu.sync_copy(rows_v, out_hbm.at[pl.ds(off, _SC_CHUNK)])

    return sc_gather(table, idx)


def _edge_e1(g_ref, vt_ref, d_ref, wd_ref):
    u = g_ref[...].reshape(_EPTS, _K, _COUT)
    d = d_ref[...]
    vt = vt_ref[...]
    wd = wd_ref[...]
    return u + vt[:, None, :] + d[:, :, None] * wd[None, :, :]


def _stats1_kernel(g_ref, vt_ref, d_ref, wd_ref, s_ref):
    @pl.when(pl.program_id(0) == 0)
    def _():
        s_ref[...] = jnp.zeros_like(s_ref)

    e1 = _edge_e1(g_ref, vt_ref, d_ref, wd_ref)
    s_ref[...] += jnp.stack(
        [jnp.sum(e1, axis=(0, 1)), jnp.sum(e1 * e1, axis=(0, 1))], axis=0)


def _stats2_kernel(g_ref, vt_ref, d_ref, wd_ref, s2_ref, t2_ref, we2_ref,
                   s_ref):
    @pl.when(pl.program_id(0) == 0)
    def _():
        s_ref[...] = jnp.zeros_like(s_ref)

    e1 = _edge_e1(g_ref, vt_ref, d_ref, wd_ref)
    h1 = _lrelu(e1 * s2_ref[...][None, :, :] + t2_ref[...][None, :, :])
    e2 = jnp.dot(h1.reshape(_EPTS * _K, _COUT).astype(jnp.bfloat16),
                 we2_ref[...].astype(jnp.bfloat16),
                 preferred_element_type=jnp.float32)
    s_ref[...] += jnp.stack(
        [jnp.sum(e2, axis=0), jnp.sum(e2 * e2, axis=0)], axis=0)


def _final_kernel(g_ref, vt_ref, d_ref, wd_ref, s2_ref, t2_ref, we2_ref,
                  s3_ref, t3_ref, scp_ref, s4_ref, t4_ref, o_ref):
    e1 = _edge_e1(g_ref, vt_ref, d_ref, wd_ref)
    h1 = _lrelu(e1 * s2_ref[...][None, :, :] + t2_ref[...][None, :, :])
    e2 = jnp.dot(h1.reshape(_EPTS * _K, _COUT).astype(jnp.bfloat16),
                 we2_ref[...].astype(jnp.bfloat16),
                 preferred_element_type=jnp.float32)
    h2 = _lrelu(e2 * s3_ref[...] + t3_ref[...]).reshape(_EPTS, _K, _COUT)
    mx = jnp.max(h2, axis=1)
    sc = scp_ref[...] * s4_ref[...] + t4_ref[...]
    o_ref[...] = _lrelu(mx + sc)


def _edge_specs(extra):
    ne = (_B * _N) // _EPTS
    specs = [
        pl.BlockSpec((_EPTS * _K, _COUT), lambda i: (i, 0)),
        pl.BlockSpec((_EPTS, _COUT), lambda i: (i, 0)),
        pl.BlockSpec((_EPTS, _K), lambda i: (i, 0)),
        pl.BlockSpec((1, _COUT), lambda i: (0, 0)),
    ]
    specs += [pl.BlockSpec(s, lambda i: (0, 0)) for s in extra]
    return ne, specs


def _stats1_pass(G, vT, dist, wd):
    ne, specs = _edge_specs([])
    return pl.pallas_call(
        _stats1_kernel, grid=(ne,), in_specs=specs,
        out_specs=pl.BlockSpec((2, _COUT), lambda i: (0, 0)),
        out_shape=jax.ShapeDtypeStruct((2, _COUT), jnp.float32),
    )(G, vT, dist, wd)


def _stats2_pass(G, vT, dist, wd, s2, t2, We2T):
    ne, specs = _edge_specs([(1, _COUT), (1, _COUT), (_COUT, _COUT)])
    return pl.pallas_call(
        _stats2_kernel, grid=(ne,), in_specs=specs,
        out_specs=pl.BlockSpec((2, _COUT), lambda i: (0, 0)),
        out_shape=jax.ShapeDtypeStruct((2, _COUT), jnp.float32),
    )(G, vT, dist, wd, s2, t2, We2T)


def _final_pass(G, vT, dist, wd, s2, t2, We2T, s3, t3, SCpT, s4, t4):
    ne, specs = _edge_specs([(1, _COUT), (1, _COUT), (_COUT, _COUT),
                             (1, _COUT), (1, _COUT)])
    specs.append(pl.BlockSpec((_EPTS, _COUT), lambda i: (i, 0)))
    specs += [pl.BlockSpec((1, _COUT), lambda i: (0, 0))] * 2
    return pl.pallas_call(
        _final_kernel, grid=(ne,), in_specs=specs,
        out_specs=pl.BlockSpec((_EPTS, _COUT), lambda i: (i, 0)),
        out_shape=jax.ShapeDtypeStruct((_B * _N, _COUT), jnp.float32),
    )(G, vT, dist, wd, s2, t2, We2T, s3, t3, SCpT, s4, t4)


def _bn_coef(sums, m, g, b):
    mean = sums[:, 0] / m
    var = sums[:, 1] / m - mean * mean
    s = g / jnp.sqrt(var + _EPS)
    return s, b - mean * s


def _bn_coef_row(sums, m, g, b):
    mean = sums[0] / m
    var = sums[1] / m - mean * mean
    s = g / jnp.sqrt(var + _EPS)
    return s.reshape(1, _COUT), (b - mean * s).reshape(1, _COUT)


def kernel(xyz, features, W_pre, g1, b1, W_e1, g2, b2, W_e2, g3, b3,
           W_sc, g4, b4):
    xyzT = jnp.transpose(xyz, (0, 2, 1))

    P, SCp, psums, ssums = _pre_pass(features, W_pre, W_sc)
    s1, t1 = _bn_coef(psums, _B * _N, g1, b1)
    s4r = (g4 / jnp.sqrt(ssums[:, 1] / (_B * _N)
                         - (ssums[:, 0] / (_B * _N)) ** 2 + _EPS))
    t4r = b4 - (ssums[:, 0] / (_B * _N)) * s4r
    s4 = s4r.reshape(1, _COUT)
    t4 = t4r.reshape(1, _COUT)

    idxf, dist = _knn_pass(xyz, xyzT)
    idx_flat = idxf[:, :, 1:].reshape(-1)
    dist16 = dist[:, :, 1:].reshape(_B * _N, _K)

    Wc = W_e1[:, :_HID]
    Wn = W_e1[:, _HID:2 * _HID]
    Wx = W_e1[:, 2 * _HID:2 * _HID + 3]
    wd = W_e1[:, 2 * _HID + 3].reshape(1, _COUT)
    u, v = _fuv_pass(P, xyzT, Wn, Wc - Wn, Wx,
                     s1.reshape(_HID, 1), t1.reshape(_HID, 1))

    uT = u.transpose(0, 2, 1).reshape(_B * _N, _COUT)
    vT = v.transpose(0, 2, 1).reshape(_B * _N, _COUT)
    SCpT = SCp.transpose(0, 2, 1).reshape(_B * _N, _COUT)

    G = _gather_rows(uT, idx_flat)

    M = _B * _N * _K
    sums1 = _stats1_pass(G, vT, dist16, wd)
    s2, t2 = _bn_coef_row(sums1, M, g2, b2)
    sums2 = _stats2_pass(G, vT, dist16, wd, s2, t2, W_e2.T)
    s3, t3 = _bn_coef_row(sums2, M, g3, b3)

    out = _final_pass(G, vT, dist16, wd, s2, t2, W_e2.T, s3, t3, SCpT, s4, t4)
    return out.reshape(_B, _N, _COUT).transpose(0, 2, 1)

# --- scband reference (transcript-rebuilt; emitter-appended) ---
"""Pipeline reference for scband-local-feature-aggregation-70411693851257 (READ-ONLY COPY).

The authoritative reference and input builder live on the scoring server;
editing this copy changes nothing except your own understanding.
"""

import jax, jax.numpy as jnp
import numpy as np

B, N, CIN, COUT, K = 4, 4096, 64, 128, 16
HID = COUT // 2
EPS = 1e-5


def lrelu(x):
    return jnp.where(x >= 0, x, 0.2 * x)


def bn(x, g, b, axes):
    mean = jnp.mean(x, axis=axes, keepdims=True)
    var = jnp.var(x, axis=axes, keepdims=True)
    shape = [1] * x.ndim
    shape[1] = -1
    return g.reshape(shape) * (x - mean) / jnp.sqrt(var + EPS) + b.reshape(shape)


def knn_indices(xyz, k):
    sq = jnp.sum(xyz * xyz, axis=-1)
    d2 = sq[:, :, None] + sq[:, None, :] - 2.0 * jnp.einsum('bnd,bmd->bnm', xyz, xyz)
    d2 = jnp.maximum(d2, 0.0)
    _, idx = jax.lax.top_k(-d2, k + 1)
    return idx[:, :, 1:]


def gather_nb(f, idx):
    # f: [b, c, n], idx: [b, m, k] -> [b, c, m, k]
    return jax.vmap(lambda fb, ib: fb[:, ib])(f, idx)


def setup_inputs(seed: int = 0) -> dict:
    key = jax.random.key(seed)
    ks = jax.random.split(key, 6)
    xyz = jax.random.normal(ks[0], (B, N, 3), dtype=jnp.float32)
    features = jax.random.normal(ks[1], (B, CIN, N), dtype=jnp.float32)
    W_pre = jax.random.normal(ks[2], (HID, CIN), dtype=jnp.float32) * 0.05
    W_e1 = jax.random.normal(ks[3], (COUT, HID * 2 + 4), dtype=jnp.float32) * 0.05
    W_e2 = jax.random.normal(ks[4], (COUT, COUT), dtype=jnp.float32) * 0.05
    W_sc = jax.random.normal(ks[5], (COUT, CIN), dtype=jnp.float32) * 0.05
    g1 = jnp.ones((HID,), dtype=jnp.float32)
    b1 = jnp.zeros((HID,), dtype=jnp.float32)
    g2 = jnp.ones((COUT,), dtype=jnp.float32)
    b2 = jnp.zeros((COUT,), dtype=jnp.float32)
    g3 = jnp.ones((COUT,), dtype=jnp.float32)
    b3 = jnp.zeros((COUT,), dtype=jnp.float32)
    g4 = jnp.ones((COUT,), dtype=jnp.float32)
    b4 = jnp.zeros((COUT,), dtype=jnp.float32)
    return {"xyz": xyz, "features": features, "W_pre": W_pre, "g1": g1, "b1": b1,
            "W_e1": W_e1, "g2": g2, "b2": b2, "W_e2": W_e2, "g3": g3, "b3": b3,
            "W_sc": W_sc, "g4": g4, "b4": b4}


def reference(xyz, features, W_pre, g1, b1, W_e1, g2, b2, W_e2, g3, b3, W_sc, g4, b4):
    idx = knn_indices(xyz, K)
    # pre_mlp: conv1d(k=1) + BN1d + LeakyReLU
    f = lrelu(bn(jnp.einsum('bcn,oc->bon', features, W_pre), g1, b1, (0, 2)))
    neighbor_f = gather_nb(f, idx)                       # [b, hid, n, k]
    center_f = jnp.broadcast_to(f[:, :, :, None], neighbor_f.shape)
    xyz_t = jnp.transpose(xyz, (0, 2, 1))                # [b, 3, n]
    neighbor_xyz = gather_nb(xyz_t, idx)                 # [b, 3, n, k]
    center_xyz = jnp.broadcast_to(xyz_t[:, :, :, None], neighbor_xyz.shape)
    rel_xyz = neighbor_xyz - center_xyz
    dist = jnp.linalg.norm(rel_xyz, axis=1, keepdims=True)
    edge_feat = jnp.concatenate([center_f, neighbor_f - center_f, rel_xyz, dist], axis=1)
    h = lrelu(bn(jnp.einsum('bcmk,oc->bomk', edge_feat, W_e1), g2, b2, (0, 2, 3)))
    h = lrelu(bn(jnp.einsum('bcmk,oc->bomk', h, W_e2), g3, b3, (0, 2, 3)))
    out = jnp.max(h, axis=-1)                            # [b, cout, n]
    shortcut = bn(jnp.einsum('bcn,oc->bon', features, W_sc), g4, b4, (0, 2))
    return lrelu(out + shortcut)

if __name__ == "__main__":
    import jax
    _d = setup_inputs()
    print(jax.jit(kernel)(*tuple(_d.values())))

</pallas_src>

<mosaic_0001>
#map = affine_map<(d0, d1) -> (0, 0)>
#map1 = affine_map<(d0, d1) -> (0)>
module attributes {stable_mosaic.version = 14 : i64} {
  func.func @sc_gather(%arg0: i32, %arg1: i32, %arg2: memref<16384x128xf32, #tpu.memory_space<hbm>>, %arg3: memref<262144xi32, #tpu.memory_space<hbm>>, %arg4: memref<262144x128xf32, #tpu.memory_space<hbm>>, %arg5: memref<512xi32, #tpu.memory_space<vmem>>, %arg6: memref<512x128xf32, #tpu.memory_space<vmem>>, %arg7: memref<!tpu.dma_semaphore, #tpu.memory_space<semaphore_mem>>) attributes {dimension_semantics = [#tpu.dimension_semantics<core_parallel>, #tpu.dimension_semantics<subcore_parallel>], iteration_bounds = array<i64: 2, 16>, scalar_prefetch = 0 : i64, scratch_operands = 3 : i64, tpu.core_type = #tpu.core_type<sc_vector_subcore>, window_params = [{transform_indices = #map}, {transform_indices = #map1}, {transform_indices = #map}]} {
    %mul3A = arith.constant 2 : i32
    %mul3A_0 = arith.muli %arg1, %mul3A : i32
    %add3A = arith.addi %mul3A_0, %arg0 : i32
    %mul3A_1 = arith.constant 8192 : i32
    %mul3A_2 = arith.muli %add3A, %mul3A_1 : i32
    %add3A_3 = arith.constant 0 : i32
    %add3A_4 = arith.addi %mul3A_2, %add3A_3 : i32
    "tpu.region"() ({
      %run_scoped3A = tpu.sem_alloc : memref<!tpu.dma_semaphore, #tpu.memory_space<semaphore_mem>>
      %dma_start3A_129 = tpu.memref_slice %arg3[%add3A_4] : memref<262144xi32, #tpu.memory_space<hbm>> -> memref<512xi32, #tpu.memory_space<hbm>>
      %dma_start3A_130 = tpu.memref_slice %arg3[%add3A_4] : memref<262144xi32, #tpu.memory_space<hbm>> -> memref<512xi32, #tpu.memory_space<hbm>>
      tpu.enqueue_dma source(%dma_start3A_130 : memref<512xi32, #tpu.memory_space<hbm>>) target(%arg5 : memref<512xi32, #tpu.memory_space<vmem>>) target_semaphore(%run_scoped3A : memref<!tpu.dma_semaphore, #tpu.memory_space<semaphore_mem>>)
      %dma_wait3A_131 = tpu.memref_slice %arg3[%add3A_4] : memref<262144xi32, #tpu.memory_space<hbm>> -> memref<512xi32, #tpu.memory_space<hbm>>
      %dma_wait3A_132 = tpu.memref_slice %arg3[%add3A_4] : memref<262144xi32, #tpu.memory_space<hbm>> -> memref<512xi32, #tpu.memory_space<hbm>>
      tpu.wait_dma2 semaphore(%run_scoped3A : memref<!tpu.dma_semaphore, #tpu.memory_space<semaphore_mem>>) src(%dma_wait3A_132 : memref<512xi32, #tpu.memory_space<hbm>>) dst(%arg5 : memref<512xi32, #tpu.memory_space<vmem>>)
      tpu.yield
    }) : () -> ()
    %dma_start3A = arith.constant 0 : i32
    %dma_start3A_5 = arith.constant 0 : i32
    %dma_start3A_6 = tpu.memref_slice %arg2[%dma_start3A, %dma_start3A_5] : memref<16384x128xf32, #tpu.memory_space<hbm>> -> memref<16384x128xf32, #tpu.memory_space<hbm>>
    tpu.enqueue_indirect_dma source(%dma_start3A_6 : memref<16384x128xf32, #tpu.memory_space<hbm>>) target(%arg6 : memref<512x128xf32, #tpu.memory_space<vmem>>) offsets(%arg5 : memref<512xi32, #tpu.memory_space<vmem>>) semaphore(%arg7 : memref<!tpu.dma_semaphore, #tpu.memory_space<semaphore_mem>>)
    %dma_wait3A = arith.constant 0 : i32
    %dma_wait3A_7 = arith.constant 0 : i32
    %dma_wait3A_8 = tpu.memref_slice %arg2[%dma_wait3A, %dma_wait3A_7] : memref<16384x128xf32, #tpu.memory_space<hbm>> -> memref<16384x128xf32, #tpu.memory_space<hbm>>
    tpu.wait_indirect_dma semaphore(%arg7 : memref<!tpu.dma_semaphore, #tpu.memory_space<semaphore_mem>>) src(%dma_wait3A_8 : memref<16384x128xf32, #tpu.memory_space<hbm>>) dst(%arg6 : memref<512x128xf32, #tpu.memory_space<vmem>>)
    "tpu.region"() ({
      %run_scoped3A = tpu.sem_alloc : memref<!tpu.dma_semaphore, #tpu.memory_space<semaphore_mem>>
      %dma_start3A_129 = arith.constant 0 : i32
      %dma_start3A_130 = tpu.memref_slice %arg4[%add3A_4, %dma_start3A_129] : memref<262144x128xf32, #tpu.memory_space<hbm>> -> memref<512x128xf32, #tpu.memory_space<hbm>>
      %dma_start3A_131 = arith.constant 0 : i32
      %dma_start3A_132 = tpu.memref_slice %arg4[%add3A_4, %dma_start3A_131] : memref<262144x128xf32, #tpu.memory_space<hbm>> -> memref<512x128xf32, #tpu.memory_space<hbm>>
      tpu.enqueue_dma source(%arg6 : memref<512x128xf32, #tpu.memory_space<vmem>>) target(%dma_start3A_132 : memref<512x128xf32, #tpu.memory_space<hbm>>) target_semaphore(%run_scoped3A : memref<!tpu.dma_semaphore, #tpu.memory_space<semaphore_mem>>)
      %dma_wait3A_133 = arith.constant 0 : i32
      %dma_wait3A_134 = tpu.memref_slice %arg4[%add3A_4, %dma_wait3A_133] : memref<262144x128xf32, #tpu.memory_space<hbm>> -> memref<512x128xf32, #tpu.memory_space<hbm>>
      %dma_wait3A_135 = arith.constant 0 : i32
      %dma_wait3A_136 = tpu.memref_slice %arg4[%add3A_4, %dma_wait3A_135] : memref<262144x128xf32, #tpu.memory_space<hbm>> -> memref<512x128xf32, #tpu.memory_space<hbm>>
      tpu.wait_dma2 semaphore(%run_scoped3A : memref<!tpu.dma_semaphore, #tpu.memory_space<semaphore_mem>>) src(%arg6 : memref<512x128xf32, #tpu.memory_space<vmem>>) dst(%dma_wait3A_136 : memref<512x128xf32, #tpu.memory_space<hbm>>)
      tpu.yield
    }) : () -> ()
    %add3A_9 = arith.constant 512 : i32
    %add3A_10 = arith.addi %mul3A_2, %add3A_9 : i32
    "tpu.region"() ({
      %run_scoped3A = tpu.sem_alloc : memref<!tpu.dma_semaphore, #tpu.memory_space<semaphore_mem>>
      %dma_start3A_129 = tpu.memref_slice %arg3[%add3A_10] : memref<262144xi32, #tpu.memory_space<hbm>> -> memref<512xi32, #tpu.memory_space<hbm>>
      %dma_start3A_130 = tpu.memref_slice %arg3[%add3A_10] : memref<262144xi32, #tpu.memory_space<hbm>> -> memref<512xi32, #tpu.memory_space<hbm>>
      tpu.enqueue_dma source(%dma_start3A_130 : memref<512xi32, #tpu.memory_space<hbm>>) target(%arg5 : memref<512xi32, #tpu.memory_space<vmem>>) target_semaphore(%run_scoped3A : memref<!tpu.dma_semaphore, #tpu.memory_space<semaphore_mem>>)
      %dma_wait3A_131 = tpu.memref_slice %arg3[%add3A_10] : memref<262144xi32, #tpu.memory_space<hbm>> -> memref<512xi32, #tpu.memory_space<hbm>>
      %dma_wait3A_132 = tpu.memref_slice %arg3[%add3A_10] : memref<262144xi32, #tpu.memory_space<hbm>> -> memref<512xi32, #tpu.memory_space<hbm>>
      tpu.wait_dma2 semaphore(%run_scoped3A : memref<!tpu.dma_semaphore, #tpu.memory_space<semaphore_mem>>) src(%dma_wait3A_132 : memref<512xi32, #tpu.memory_space<hbm>>) dst(%arg5 : memref<512xi32, #tpu.memory_space<vmem>>)
      tpu.yield
    }) : () -> ()
    %dma_start3A_11 = arith.constant 0 : i32
    %dma_start3A_12 = arith.constant 0 : i32
    %dma_start3A_13 = tpu.memref_slice %arg2[%dma_start3A_11, %dma_start3A_12] : memref<16384x128xf32, #tpu.memory_space<hbm>> -> memref<16384x128xf32, #tpu.memory_space<hbm>>
    tpu.enqueue_indirect_dma source(%dma_start3A_13 : memref<16384x128xf32, #tpu.memory_space<hbm>>) target(%arg6 : memref<512x128xf32, #tpu.memory_space<vmem>>) offsets(%arg5 : memref<512xi32, #tpu.memory_space<vmem>>) semaphore(%arg7 : memref<!tpu.dma_semaphore, #tpu.memory_space<semaphore_mem>>)
    %dma_wait3A_14 = arith.constant 0 : i32
    %dma_wait3A_15 = arith.constant 0 : i32
    %dma_wait3A_16 = tpu.memref_slice %arg2[%dma_wait3A_14, %dma_wait3A_15] : memref<16384x128xf32, #tpu.memory_space<hbm>> -> memref<16384x128xf32, #tpu.memory_space<hbm>>
    tpu.wait_indirect_dma semaphore(%arg7 : memref<!tpu.dma_semaphore, #tpu.memory_space<semaphore_mem>>) src(%dma_wait3A_16 : memref<16384x128xf32, #tpu.memory_space<hbm>>) dst(%arg6 : memref<512x128xf32, #tpu.memory_space<vmem>>)
    "tpu.region"() ({
      %run_scoped3A = tpu.sem_alloc : memref<!tpu.dma_semaphore, #tpu.memory_space<semaphore_mem>>
      %dma_start3A_129 = arith.constant 0 : i32
      %dma_start3A_130 = tpu.memref_slice %arg4[%add3A_10, %dma_start3A_129] : memref<262144x128xf32, #tpu.memory_space<hbm>> -> memref<512x128xf32, #tpu.memory_space<hbm>>
      %dma_start3A_131 = arith.constant 0 : i32
      %dma_start3A_132 = tpu.memref_slice %arg4[%add3A_10, %dma_start3A_131] : memref<262144x128xf32, #tpu.memory_space<hbm>> -> memref<512x128xf32, #tpu.memory_space<hbm>>
      tpu.enqueue_dma source(%arg6 : memref<512x128xf32, #tpu.memory_space<vmem>>) target(%dma_start3A_132 : memref<512x128xf32, #tpu.memory_space<hbm>>) target_semaphore(%run_scoped3A : memref<!tpu.dma_semaphore, #tpu.memory_space<semaphore_mem>>)
      %dma_wait3A_133 = arith.constant 0 : i32
      %dma_wait3A_134 = tpu.memref_slice %arg4[%add3A_10, %dma_wait3A_133] : memref<262144x128xf32, #tpu.memory_space<hbm>> -> memref<512x128xf32, #tpu.memory_space<hbm>>
      %dma_wait3A_135 = arith.constant 0 : i32
      %dma_wait3A_136 = tpu.memref_slice %arg4[%add3A_10, %dma_wait3A_135] : memref<262144x128xf32, #tpu.memory_space<hbm>> -> memref<512x128xf32, #tpu.memory_space<hbm>>
      tpu.wait_dma2 semaphore(%run_scoped3A : memref<!tpu.dma_semaphore, #tpu.memory_space<semaphore_mem>>) src(%arg6 : memref<512x128xf32, #tpu.memory_space<vmem>>) dst(%dma_wait3A_136 : memref<512x128xf32, #tpu.memory_space<hbm>>)
      tpu.yield
    }) : () -> ()
    %add3A_17 = arith.constant 1024 : i32
    %add3A_18 = arith.addi %mul3A_2, %add3A_17 : i32
    "tpu.region"() ({
      %run_scoped3A = tpu.sem_alloc : memref<!tpu.dma_semaphore, #tpu.memory_space<semaphore_mem>>
      %dma_start3A_129 = tpu.memref_slice %arg3[%add3A_18] : memref<262144xi32, #tpu.memory_space<hbm>> -> memref<512xi32, #tpu.memory_space<hbm>>
      %dma_start3A_130 = tpu.memref_slice %arg3[%add3A_18] : memref<262144xi32, #tpu.memory_space<hbm>> -> memref<512xi32, #tpu.memory_space<hbm>>
      tpu.enqueue_dma source(%dma_start3A_130 : memref<512xi32, #tpu.memory_space<hbm>>) target(%arg5 : memref<512xi32, #tpu.memory_space<vmem>>) target_semaphore(%run_scoped3A : memref<!tpu.dma_semaphore, #tpu.memory_space<semaphore_mem>>)
      %dma_wait3A_131 = tpu.memref_slice %arg3[%add3A_18] : memref<262144xi32, #tpu.memory_space<hbm>> -> memref<512xi32, #tpu.memory_space<hbm>>
      %dma_wait3A_132 = tpu.memref_slice %arg3[%add3A_18] : memref<262144xi32, #tpu.memory_space<hbm>> -> memref<512xi32, #tpu.memory_space<hbm>>
      tpu.wait_dma2 semaphore(%run_scoped3A : memref<!tpu.dma_semaphore, #tpu.memory_space<semaphore_mem>>) src(%dma_wait3A_132 : memref<512xi32, #tpu.memory_space<hbm>>) dst(%arg5 : memref<512xi32, #tpu.memory_space<vmem>>)
      tpu.yield
    }) : () -> ()
    %dma_start3A_19 = arith.constant 0 : i32
    %dma_start3A_20 = arith.constant 0 : i32
    %dma_start3A_21 = tpu.memref_slice %arg2[%dma_start3A_19, %dma_start3A_20] : memref<16384x128xf32, #tpu.memory_space<hbm>> -> memref<16384x128xf32, #tpu.memory_space<hbm>>
    tpu.enqueue_indirect_dma source(%dma_start3A_21 : memref<16384x128xf32, #tpu.memory_space<hbm>>) target(%arg6 : memref<512x128xf32, #tpu.memory_space<vmem>>) offsets(%arg5 : memref<512xi32, #tpu.memory_space<vmem>>) semaphore(%arg7 : memref<!tpu.dma_semaphore, #tpu.memory_space<semaphore_mem>>)
    %dma_wait3A_22 = arith.constant 0 : i32
    %dma_wait3A_23 = arith.constant 0 : i32
    %dma_wait3A_24 = tpu.memref_slice %arg2[%dma_wait3A_22, %dma_wait3A_23] : memref<16384x128xf32, #tpu.memory_space<hbm>> -> memref<16384x128xf32, #tpu.memory_space<hbm>>
    tpu.wait_indirect_dma semaphore(%arg7 : memref<!tpu.dma_semaphore, #tpu.memory_space<semaphore_mem>>) src(%dma_wait3A_24 : memref<16384x128xf32, #tpu.memory_space<hbm>>) dst(%arg6 : memref<512x128xf32, #tpu.memory_space<vmem>>)
    "tpu.region"() ({
      %run_scoped3A = tpu.sem_alloc : memref<!tpu.dma_semaphore, #tpu.memory_space<semaphore_mem>>
      %dma_start3A_129 = arith.constant 0 : i32
      %dma_start3A_130 = tpu.memref_slice %arg4[%add3A_18, %dma_start3A_129] : memref<262144x128xf32, #tpu.memory_space<hbm>> -> memref<512x128xf32, #tpu.memory_space<hbm>>
      %dma_start3A_131 = arith.constant 0 : i32
      %dma_start3A_132 = tpu.memref_slice %arg4[%add3A_18, %dma_start3A_131] : memref<262144x128xf32, #tpu.memory_space<hbm>> -> memref<512x128xf32, #tpu.memory_space<hbm>>
      tpu.enqueue_dma source(%arg6 : memref<512x128xf32, #tpu.memory_space<vmem>>) target(%dma_start3A_132 : memref<512x128xf32, #tpu.memory_space<hbm>>) target_semaphore(%run_scoped3A : memref<!tpu.dma_semaphore, #tpu.memory_space<semaphore_mem>>)
      %dma_wait3A_133 = arith.constant 0 : i32
      %dma_wait3A_134 = tpu.memref_slice %arg4[%add3A_18, %dma_wait3A_133] : memref<262144x128xf32, #tpu.memory_space<hbm>> -> memref<512x128xf32, #tpu.memory_space<hbm>>
      %dma_wait3A_135 = arith.constant 0 : i32
      %dma_wait3A_136 = tpu.memref_slice %arg4[%add3A_18, %dma_wait3A_135] : memref<262144x128xf32, #tpu.memory_space<hbm>> -> memref<512x128xf32, #tpu.memory_space<hbm>>
      tpu.wait_dma2 semaphore(%run_scoped3A : memref<!tpu.dma_semaphore, #tpu.memory_space<semaphore_mem>>) src(%arg6 : memref<512x128xf32, #tpu.memory_space<vmem>>) dst(%dma_wait3A_136 : memref<512x128xf32, #tpu.memory_space<hbm>>)
      tpu.yield
    }) : () -> ()
    %add3A_25 = arith.constant 1536 : i32
    %add3A_26 = arith.addi %mul3A_2, %add3A_25 : i32
    "tpu.region"() ({
      %run_scoped3A = tpu.sem_alloc : memref<!tpu.dma_semaphore, #tpu.memory_space<semaphore_mem>>
      %dma_start3A_129 = tpu.memref_slice %arg3[%add3A_26] : memref<262144xi32, #tpu.memory_space<hbm>> -> memref<512xi32, #tpu.memory_space<hbm>>
      %dma_start3A_130 = tpu.memref_slice %arg3[%add3A_26] : memref<262144xi32, #tpu.memory_space<hbm>> -> memref<512xi32, #tpu.memory_space<hbm>>
      tpu.enqueue_dma source(%dma_start3A_130 : memref<512xi32, #tpu.memory_space<hbm>>) target(%arg5 : memref<512xi32, #tpu.memory_space<vmem>>) target_semaphore(%run_scoped3A : memref<!tpu.dma_semaphore, #tpu.memory_space<semaphore_mem>>)
      %dma_wait3A_131 = tpu.memref_slice %arg3[%add3A_26] : memref<262144xi32, #tpu.memory_space<hbm>> -> memref<512xi32, #tpu.memory_space<hbm>>
      %dma_wait3A_132 = tpu.memref_slice %arg3[%add3A_26] : memref<262144xi32, #tpu.memory_space<hbm>> -> memref<512xi32, #tpu.memory_space<hbm>>
      tpu.wait_dma2 semaphore(%run_scoped3A : memref<!tpu.dma_semaphore, #tpu.memory_space<semaphore_mem>>) src(%dma_wait3A_132 : memref<512xi32, #tpu.memory_space<hbm>>) dst(%arg5 : memref<512xi32, #tpu.memory_space<vmem>>)
      tpu.yield
    }) : () -> ()
    %dma_start3A_27 = arith.constant 0 : i32
    %dma_start3A_28 = arith.constant 0 : i32
    %dma_start3A_29 = tpu.memref_slice %arg2[%dma_start3A_27, %dma_start3A_28] : memref<16384x128xf32, #tpu.memory_space<hbm>> -> memref<16384x128xf32, #tpu.memory_space<hbm>>
    tpu.enqueue_indirect_dma source(%dma_start3A_29 : memref<16384x128xf32, #tpu.memory_space<hbm>>) target(%arg6 : memref<512x128xf32, #tpu.memory_space<vmem>>) offsets(%arg5 : memref<512xi32, #tpu.memory_space<vmem>>) semaphore(%arg7 : memref<!tpu.dma_semaphore, #tpu.memory_space<semaphore_mem>>)
    %dma_wait3A_30 = arith.constant 0 : i32
    %dma_wait3A_31 = arith.constant 0 : i32
    %dma_wait3A_32 = tpu.memref_slice %arg2[%dma_wait3A_30, %dma_wait3A_31] : memref<16384x128xf32, #tpu.memory_space<hbm>> -> memref<16384x128xf32, #tpu.memory_space<hbm>>
    tpu.wait_indirect_dma semaphore(%arg7 : memref<!tpu.dma_semaphore, #tpu.memory_space<semaphore_mem>>) src(%dma_wait3A_32 : memref<16384x128xf32, #tpu.memory_space<hbm>>) dst(%arg6 : memref<512x128xf32, #tpu.memory_space<vmem>>)
    "tpu.region"() ({
      %run_scoped3A = tpu.sem_alloc : memref<!tpu.dma_semaphore, #tpu.memory_space<semaphore_mem>>
      %dma_start3A_129 = arith.constant 0 : i32
      %dma_start3A_130 = tpu.memref_slice %arg4[%add3A_26, %dma_start3A_129] : memref<262144x128xf32, #tpu.memory_space<hbm>> -> memref<512x128xf32, #tpu.memory_space<hbm>>
      %dma_start3A_131 = arith.constant 0 : i32
      %dma_start3A_132 = tpu.memref_slice %arg4[%add3A_26, %dma_start3A_131] : memref<262144x128xf32, #tpu.memory_space<hbm>> -> memref<512x128xf32, #tpu.memory_space<hbm>>
      tpu.enqueue_dma source(%arg6 : memref<512x128xf32, #tpu.memory_space<vmem>>) target(%dma_start3A_132 : memref<512x128xf32, #tpu.memory_space<hbm>>) target_semaphore(%run_scoped3A : memref<!tpu.dma_semaphore, #tpu.memory_space<semaphore_mem>>)
      %dma_wait3A_133 = arith.constant 0 : i32
      %dma_wait3A_134 = tpu.memref_slice %arg4[%add3A_26, %dma_wait3A_133] : memref<262144x128xf32, #tpu.memory_space<hbm>> -> memref<512x128xf32, #tpu.memory_space<hbm>>
      %dma_wait3A_135 = arith.constant 0 : i32
      %dma_wait3A_136 = tpu.memref_slice %arg4[%add3A_26, %dma_wait3A_135] : memref<262144x128xf32, #tpu.memory_space<hbm>> -> memref<512x128xf32, #tpu.memory_space<hbm>>
      tpu.wait_dma2 semaphore(%run_scoped3A : memref<!tpu.dma_semaphore, #tpu.memory_space<semaphore_mem>>) src(%arg6 : memref<512x128xf32, #tpu.memory_space<vmem>>) dst(%dma_wait3A_136 : memref<512x128xf32, #tpu.memory_space<hbm>>)
      tpu.yield
    }) : () -> ()
    %add3A_33 = arith.constant 2048 : i32
    %add3A_34 = arith.addi %mul3A_2, %add3A_33 : i32
    "tpu.region"() ({
      %run_scoped3A = tpu.sem_alloc : memref<!tpu.dma_semaphore, #tpu.memory_space<semaphore_mem>>
      %dma_start3A_129 = tpu.memref_slice %arg3[%add3A_34] : memref<262144xi32, #tpu.memory_space<hbm>> -> memref<512xi32, #tpu.memory_space<hbm>>
      %dma_start3A_130 = tpu.memref_slice %arg3[%add3A_34] : memref<262144xi32, #tpu.memory_space<hbm>> -> memref<512xi32, #tpu.memory_space<hbm>>
      tpu.enqueue_dma source(%dma_start3A_130 : memref<512xi32, #tpu.memory_space<hbm>>) target(%arg5 : memref<512xi32, #tpu.memory_space<vmem>>) target_semaphore(%run_scoped3A : memref<!tpu.dma_semaphore, #tpu.memory_space<semaphore_mem>>)
      %dma_wait3A_131 = tpu.memref_slice %arg3[%add3A_34] : memref<262144xi32, #tpu.memory_space<hbm>> -> memref<512xi32, #tpu.memory_space<hbm>>
      %dma_wait3A_132 = tpu.memref_slice %arg3[%add3A_34] : memref<262144xi32, #tpu.memory_space<hbm>> -> memref<512xi32, #tpu.memory_space<hbm>>
      tpu.wait_dma2 semaphore(%run_scoped3A : memref<!tpu.dma_semaphore, #tpu.memory_space<semaphore_mem>>) src(%dma_wait3A_132 : memref<512xi32, #tpu.memory_space<hbm>>) dst(%arg5 : memref<512xi32, #tpu.memory_space<vmem>>)
      tpu.yield
    }) : () -> ()
    %dma_start3A_35 = arith.constant 0 : i32
    %dma_start3A_36 = arith.constant 0 : i32
    %dma_start3A_37 = tpu.memref_slice %arg2[%dma_start3A_35, %dma_start3A_36] : memref<16384x128xf32, #tpu.memory_space<hbm>> -> memref<16384x128xf32, #tpu.memory_space<hbm>>
    tpu.enqueue_indirect_dma source(%dma_start3A_37 : memref<16384x128xf32, #tpu.memory_space<hbm>>) target(%arg6 : memref<512x128xf32, #tpu.memory_space<vmem>>) offsets(%arg5 : memref<512xi32, #tpu.memory_space<vmem>>) semaphore(%arg7 : memref<!tpu.dma_semaphore, #tpu.memory_space<semaphore_mem>>)
    %dma_wait3A_38 = arith.constant 0 : i32
    %dma_wait3A_39 = arith.constant 0 : i32
    %dma_wait3A_40 = tpu.memref_slice %arg2[%dma_wait3A_38, %dma_wait3A_39] : memref<16384x128xf32, #tpu.memory_space<hbm>> -> memref<16384x128xf32, #tpu.memory_space<hbm>>
    tpu.wait_indirect_dma semaphore(%arg7 : memref<!tpu.dma_semaphore, #tpu.memory_space<semaphore_mem>>) src(%dma_wait3A_40 : memref<16384x128xf32, #tpu.memory_space<hbm>>) dst(%arg6 : memref<512x128xf32, #tpu.memory_space<vmem>>)
    "tpu.region"() ({
      %run_scoped3A = tpu.sem_alloc : memref<!tpu.dma_semaphore, #tpu.memory_space<semaphore_mem>>
      %dma_start3A_129 = arith.constant 0 : i32
      %dma_start3A_130 = tpu.memref_slice %arg4[%add3A_34, %dma_start3A_129] : memref<262144x128xf32, #tpu.memory_space<hbm>> -> memref<512x128xf32, #tpu.memory_space<hbm>>
      %dma_start3A_131 = arith.constant 0 : i32
      %dma_start3A_132 = tpu.memref_slice %arg4[%add3A_34, %dma_start3A_131] : memref<262144x128xf32, #tpu.memory_space<hbm>> -> memref<512x128xf32, #tpu.memory_space<hbm>>
      tpu.enqueue_dma source(%arg6 : memref<512x128xf32, #tpu.memory_space<vmem>>) target(%dma_start3A_132 : memref<512x128xf32, #tpu.memory_space<hbm>>) target_semaphore(%run_scoped3A : memref<!tpu.dma_semaphore, #tpu.memory_space<semaphore_mem>>)
      %dma_wait3A_133 = arith.constant 0 : i32
      %dma_wait3A_134 = tpu.memref_slice %arg4[%add3A_34, %dma_wait3A_133] : memref<262144x128xf32, #tpu.memory_space<hbm>> -> memref<512x128xf32, #tpu.memory_space<hbm>>
      %dma_wait3A_135 = arith.constant 0 : i32
      %dma_wait3A_136 = tpu.memref_slice %arg4[%add3A_34, %dma_wait3A_135] : memref<262144x128xf32, #tpu.memory_space<hbm>> -> memref<512x128xf32, #tpu.memory_space<hbm>>
      tpu.wait_dma2 semaphore(%run_scoped3A : memref<!tpu.dma_semaphore, #tpu.memory_space<semaphore_mem>>) src(%arg6 : memref<512x128xf32, #tpu.memory_space<vmem>>) dst(%dma_wait3A_136 : memref<512x128xf32, #tpu.memory_space<hbm>>)
      tpu.yield
    }) : () -> ()
    %add3A_41 = arith.constant 2560 : i32
    %add3A_42 = arith.addi %mul3A_2, %add3A_41 : i32
    "tpu.region"() ({
      %run_scoped3A = tpu.sem_alloc : memref<!tpu.dma_semaphore, #tpu.memory_space<semaphore_mem>>
      %dma_start3A_129 = tpu.memref_slice %arg3[%add3A_42] : memref<262144xi32, #tpu.memory_space<hbm>> -> memref<512xi32, #tpu.memory_space<hbm>>
      %dma_start3A_130 = tpu.memref_slice %arg3[%add3A_42] : memref<262144xi32, #tpu.memory_space<hbm>> -> memref<512xi32, #tpu.memory_space<hbm>>
      tpu.enqueue_dma source(%dma_start3A_130 : memref<512xi32, #tpu.memory_space<hbm>>) target(%arg5 : memref<512xi32, #tpu.memory_space<vmem>>) target_semaphore(%run_scoped3A : memref<!tpu.dma_semaphore, #tpu.memory_space<semaphore_mem>>)
      %dma_wait3A_131 = tpu.memref_slice %arg3[%add3A_42] : memref<262144xi32, #tpu.memory_space<hbm>> -> memref<512xi32, #tpu.memory_space<hbm>>
      %dma_wait3A_132 = tpu.memref_slice %arg3[%add3A_42] : memref<262144xi32, #tpu.memory_space<hbm>> -> memref<512xi32, #tpu.memory_space<hbm>>
      tpu.wait_dma2 semaphore(%run_scoped3A : memref<!tpu.dma_semaphore, #tpu.memory_space<semaphore_mem>>) src(%dma_wait3A_132 : memref<512xi32, #tpu.memory_space<hbm>>) dst(%arg5 : memref<512xi32, #tpu.memory_space<vmem>>)
      tpu.yield
    }) : () -> ()
    %dma_start3A_43 = arith.constant 0 : i32
    %dma_start3A_44 = arith.constant 0 : i32
    %dma_start3A_45 = tpu.memref_slice %arg2[%dma_start3A_43, %dma_start3A_44] : memref<16384x128xf32, #tpu.memory_space<hbm>> -> memref<16384x128xf32, #tpu.memory_space<hbm>>
    tpu.enqueue_indirect_dma source(%dma_start3A_45 : memref<16384x128xf32, #tpu.memory_space<hbm>>) target(%arg6 : memref<512x128xf32, #tpu.memory_space<vmem>>) offsets(%arg5 : memref<512xi32, #tpu.memory_space<vmem>>) semaphore(%arg7 : memref<!tpu.dma_semaphore, #tpu.memory_space<semaphore_mem>>)
    %dma_wait3A_46 = arith.constant 0 : i32
    %dma_wait3A_47 = arith.constant 0 : i32
    %dma_wait3A_48 = tpu.memref_slice %arg2[%dma_wait3A_46, %dma_wait3A_47] : memref<16384x128xf32, #tpu.memory_space<hbm>> -> memref<16384x128xf32, #tpu.memory_space<hbm>>
    tpu.wait_indirect_dma semaphore(%arg7 : memref<!tpu.dma_semaphore, #tpu.memory_space<semaphore_mem>>) src(%dma_wait3A_48 : memref<16384x128xf32, #tpu.memory_space<hbm>>) dst(%arg6 : memref<512x128xf32, #tpu.memory_space<vmem>>)
    "tpu.region"() ({
      %run_scoped3A = tpu.sem_alloc : memref<!tpu.dma_semaphore, #tpu.memory_space<semaphore_mem>>
      %dma_start3A_129 = arith.constant 0 : i32
      %dma_start3A_130 = tpu.memref_slice %arg4[%add3A_42, %dma_start3A_129] : memref<262144x128xf32, #tpu.memory_space<hbm>> -> memref<512x128xf32, #tpu.memory_space<hbm>>
      %dma_start3A_131 = arith.constant 0 : i32
      %dma_start3A_132 = tpu.memref_slice %arg4[%add3A_42, %dma_start3A_131] : memref<262144x128xf32, #tpu.memory_space<hbm>> -> memref<512x128xf32, #tpu.memory_space<hbm>>
      tpu.enqueue_dma source(%arg6 : memref<512x128xf32, #tpu.memory_space<vmem>>) target(%dma_start3A_132 : memref<512x128xf32, #tpu.memory_space<hbm>>) target_semaphore(%run_scoped3A : memref<!tpu.dma_semaphore, #tpu.memory_space<semaphore_mem>>)
      %dma_wait3A_133 = arith.constant 0 : i32
      %dma_wait3A_134 = tpu.memref_slice %arg4[%add3A_42, %dma_wait3A_133] : memref<262144x128xf32, #tpu.memory_space<hbm>> -> memref<512x128xf32, #tpu.memory_space<hbm>>
      %dma_wait3A_135 = arith.constant 0 : i32
      %dma_wait3A_136 = tpu.memref_slice %arg4[%add3A_42, %dma_wait3A_135] : memref<262144x128xf32, #tpu.memory_space<hbm>> -> memref<512x128xf32, #tpu.memory_space<hbm>>
      tpu.wait_dma2 semaphore(%run_scoped3A : memref<!tpu.dma_semaphore, #tpu.memory_space<semaphore_mem>>) src(%arg6 : memref<512x128xf32, #tpu.memory_space<vmem>>) dst(%dma_wait3A_136 : memref<512x128xf32, #tpu.memory_space<hbm>>)
      tpu.yield
    }) : () -> ()
    %add3A_49 = arith.constant 3072 : i32
    %add3A_50 = arith.addi %mul3A_2, %add3A_49 : i32
    "tpu.region"() ({
      %run_scoped3A = tpu.sem_alloc : memref<!tpu.dma_semaphore, #tpu.memory_space<semaphore_mem>>
      %dma_start3A_129 = tpu.memref_slice %arg3[%add3A_50] : memref<262144xi32, #tpu.memory_space<hbm>> -> memref<512xi32, #tpu.memory_space<hbm>>
      %dma_start3A_130 = tpu.memref_slice %arg3[%add3A_50] : memref<262144xi32, #tpu.memory_space<hbm>> -> memref<512xi32, #tpu.memory_space<hbm>>
      tpu.enqueue_dma source(%dma_start3A_130 : memref<512xi32, #tpu.memory_space<hbm>>) target(%arg5 : memref<512xi32, #tpu.memory_space<vmem>>) target_semaphore(%run_scoped3A : memref<!tpu.dma_semaphore, #tpu.memory_space<semaphore_mem>>)
      %dma_wait3A_131 = tpu.memref_slice %arg3[%add3A_50] : memref<262144xi32, #tpu.memory_space<hbm>> -> memref<512xi32, #tpu.memory_space<hbm>>
      %dma_wait3A_132 = tpu.memref_slice %arg3[%add3A_50] : memref<262144xi32, #tpu.memory_space<hbm>> -> memref<512xi32, #tpu.memory_space<hbm>>
      tpu.wait_dma2 semaphore(%run_scoped3A : memref<!tpu.dma_semaphore, #tpu.memory_space<semaphore_mem>>) src(%dma_wait3A_132 : memref<512xi32, #tpu.memory_space<hbm>>) dst(%arg5 : memref<512xi32, #tpu.memory_space<vmem>>)
      tpu.yield
    }) : () -> ()
    %dma_start3A_51 = arith.constant 0 : i32
    %dma_start3A_52 = arith.constant 0 : i32
    %dma_start3A_53 = tpu.memref_slice %arg2[%dma_start3A_51, %dma_start3A_52] : memref<16384x128xf32, #tpu.memory_space<hbm>> -> memref<16384x128xf32, #tpu.memory_space<hbm>>
    tpu.enqueue_indirect_dma source(%dma_start3A_53 : memref<16384x128xf32, #tpu.memory_space<hbm>>) target(%arg6 : memref<512x128xf32, #tpu.memory_space<vmem>>) offsets(%arg5 : memref<512xi32, #tpu.memory_space<vmem>>) semaphore(%arg7 : memref<!tpu.dma_semaphore, #tpu.memory_space<semaphore_mem>>)
    %dma_wait3A_54 = arith.constant 0 : i32
    %dma_wait3A_55 = arith.constant 0 : i32
    %dma_wait3A_56 = tpu.memref_slice %arg2[%dma_wait3A_54, %dma_wait3A_55] : memref<16384x128xf32, #tpu.memory_space<hbm>> -> memref<16384x128xf32, #tpu.memory_space<hbm>>
    tpu.wait_indirect_dma semaphore(%arg7 : memref<!tpu.dma_semaphore, #tpu.memory_space<semaphore_mem>>) src(%dma_wait3A_56 : memref<16384x128xf32, #tpu.memory_space<hbm>>) dst(%arg6 : memref<512x128xf32, #tpu.memory_space<vmem>>)
    "tpu.region"() ({
      %run_scoped3A = tpu.sem_alloc : memref<!tpu.dma_semaphore, #tpu.memory_space<semaphore_mem>>
      %dma_start3A_129 = arith.constant 0 : i32
      %dma_start3A_130 = tpu.memref_slice %arg4[%add3A_50, %dma_start3A_129] : memref<262144x128xf32, #tpu.memory_space<hbm>> -> memref<512x128xf32, #tpu.memory_space<hbm>>
      %dma_start3A_131 = arith.constant 0 : i32
      %dma_start3A_132 = tpu.memref_slice %arg4[%add3A_50, %dma_start3A_131] : memref<262144x128xf32, #tpu.memory_space<hbm>> -> memref<512x128xf32, #tpu.memory_space<hbm>>
      tpu.enqueue_dma source(%arg6 : memref<512x128xf32, #tpu.memory_space<vmem>>) target(%dma_start3A_132 : memref<512x128xf32, #tpu.memory_space<hbm>>) target_semaphore(%run_scoped3A : memref<!tpu.dma_semaphore, #tpu.memory_space<semaphore_mem>>)
      %dma_wait3A_133 = arith.constant 0 : i32
      %dma_wait3A_134 = tpu.memref_slice %arg4[%add3A_50, %dma_wait3A_133] : memref<262144x128xf32, #tpu.memory_space<hbm>> -> memref<512x128xf32, #tpu.memory_space<hbm>>
      %dma_wait3A_135 = arith.constant 0 : i32
      %dma_wait3A_136 = tpu.memref_slice %arg4[%add3A_50, %dma_wait3A_135] : memref<262144x128xf32, #tpu.memory_space<hbm>> -> memref<512x128xf32, #tpu.memory_space<hbm>>
      tpu.wait_dma2 semaphore(%run_scoped3A : memref<!tpu.dma_semaphore, #tpu.memory_space<semaphore_mem>>) src(%arg6 : memref<512x128xf32, #tpu.memory_space<vmem>>) dst(%dma_wait3A_136 : memref<512x128xf32, #tpu.memory_space<hbm>>)
      tpu.yield
    }) : () -> ()
    %add3A_57 = arith.constant 3584 : i32
    %add3A_58 = arith.addi %mul3A_2, %add3A_57 : i32
    "tpu.region"() ({
      %run_scoped3A = tpu.sem_alloc : memref<!tpu.dma_semaphore, #tpu.memory_space<semaphore_mem>>
      %dma_start3A_129 = tpu.memref_slice %arg3[%add3A_58] : memref<262144xi32, #tpu.memory_space<hbm>> -> memref<512xi32, #tpu.memory_space<hbm>>
      %dma_start3A_130 = tpu.memref_slice %arg3[%add3A_58] : memref<262144xi32, #tpu.memory_space<hbm>> -> memref<512xi32, #tpu.memory_space<hbm>>
      tpu.enqueue_dma source(%dma_start3A_130 : memref<512xi32, #tpu.memory_space<hbm>>) target(%arg5 : memref<512xi32, #tpu.memory_space<vmem>>) target_semaphore(%run_scoped3A : memref<!tpu.dma_semaphore, #tpu.memory_space<semaphore_mem>>)
      %dma_wait3A_131 = tpu.memref_slice %arg3[%add3A_58] : memref<262144xi32, #tpu.memory_space<hbm>> -> memref<512xi32, #tpu.memory_space<hbm>>
      %dma_wait3A_132 = tpu.memref_slice %arg3[%add3A_58] : memref<262144xi32, #tpu.memory_space<hbm>> -> memref<512xi32, #tpu.memory_space<hbm>>
      tpu.wait_dma2 semaphore(%run_scoped3A : memref<!tpu.dma_semaphore, #tpu.memory_space<semaphore_mem>>) src(%dma_wait3A_132 : memref<512xi32, #tpu.memory_space<hbm>>) dst(%arg5 : memref<512xi32, #tpu.memory_space<vmem>>)
      tpu.yield
    }) : () -> ()
    %dma_start3A_59 = arith.constant 0 : i32
    %dma_start3A_60 = arith.constant 0 : i32
    %dma_start3A_61 = tpu.memref_slice %arg2[%dma_start3A_59, %dma_start3A_60] : memref<16384x128xf32, #tpu.memory_space<hbm>> -> memref<16384x128xf32, #tpu.memory_space<hbm>>
    tpu.enqueue_indirect_dma source(%dma_start3A_61 : memref<16384x128xf32, #tpu.memory_space<hbm>>) target(%arg6 : memref<512x128xf32, #tpu.memory_space<vmem>>) offsets(%arg5 : memref<512xi32, #tpu.memory_space<vmem>>) semaphore(%arg7 : memref<!tpu.dma_semaphore, #tpu.memory_space<semaphore_mem>>)
    %dma_wait3A_62 = arith.constant 0 : i32
    %dma_wait3A_63 = arith.constant 0 : i32
    %dma_wait3A_64 = tpu.memref_slice %arg2[%dma_wait3A_62, %dma_wait3A_63] : memref<16384x128xf32, #tpu.memory_space<hbm>> -> memref<16384x128xf32, #tpu.memory_space<hbm>>
    tpu.wait_indirect_dma semaphore(%arg7 : memref<!tpu.dma_semaphore, #tpu.memory_space<semaphore_mem>>) src(%dma_wait3A_64 : memref<16384x128xf32, #tpu.memory_space<hbm>>) dst(%arg6 : memref<512x128xf32, #tpu.memory_space<vmem>>)
    "tpu.region"() ({
      %run_scoped3A = tpu.sem_alloc : memref<!tpu.dma_semaphore, #tpu.memory_space<semaphore_mem>>
      %dma_start3A_129 = arith.constant 0 : i32
      %dma_start3A_130 = tpu.memref_slice %arg4[%add3A_58, %dma_start3A_129] : memref<262144x128xf32, #tpu.memory_space<hbm>> -> memref<512x128xf32, #tpu.memory_space<hbm>>
      %dma_start3A_131 = arith.constant 0 : i32
      %dma_start3A_132 = tpu.memref_slice %arg4[%add3A_58, %dma_start3A_131] : memref<262144x128xf32, #tpu.memory_space<hbm>> -> memref<512x128xf32, #tpu.memory_space<hbm>>
      tpu.enqueue_dma source(%arg6 : memref<512x128xf32, #tpu.memory_space<vmem>>) target(%dma_start3A_132 : memref<512x128xf32, #tpu.memory_space<hbm>>) target_semaphore(%run_scoped3A : memref<!tpu.dma_semaphore, #tpu.memory_space<semaphore_mem>>)
      %dma_wait3A_133 = arith.constant 0 : i32
      %dma_wait3A_134 = tpu.memref_slice %arg4[%add3A_58, %dma_wait3A_133] : memref<262144x128xf32, #tpu.memory_space<hbm>> -> memref<512x128xf32, #tpu.memory_space<hbm>>
      %dma_wait3A_135 = arith.constant 0 : i32
      %dma_wait3A_136 = tpu.memref_slice %arg4[%add3A_58, %dma_wait3A_135] : memref<262144x128xf32, #tpu.memory_space<hbm>> -> memref<512x128xf32, #tpu.memory_space<hbm>>
      tpu.wait_dma2 semaphore(%run_scoped3A : memref<!tpu.dma_semaphore, #tpu.memory_space<semaphore_mem>>) src(%arg6 : memref<512x128xf32, #tpu.memory_space<vmem>>) dst(%dma_wait3A_136 : memref<512x128xf32, #tpu.memory_space<hbm>>)
      tpu.yield
    }) : () -> ()
    %add3A_65 = arith.constant 4096 : i32
    %add3A_66 = arith.addi %mul3A_2, %add3A_65 : i32
    "tpu.region"() ({
      %run_scoped3A = tpu.sem_alloc : memref<!tpu.dma_semaphore, #tpu.memory_space<semaphore_mem>>
      %dma_start3A_129 = tpu.memref_slice %arg3[%add3A_66] : memref<262144xi32, #tpu.memory_space<hbm>> -> memref<512xi32, #tpu.memory_space<hbm>>
      %dma_start3A_130 = tpu.memref_slice %arg3[%add3A_66] : memref<262144xi32, #tpu.memory_space<hbm>> -> memref<512xi32, #tpu.memory_space<hbm>>
      tpu.enqueue_dma source(%dma_start3A_130 : memref<512xi32, #tpu.memory_space<hbm>>) target(%arg5 : memref<512xi32, #tpu.memory_space<vmem>>) target_semaphore(%run_scoped3A : memref<!tpu.dma_semaphore, #tpu.memory_space<semaphore_mem>>)
      %dma_wait3A_131 = tpu.memref_slice %arg3[%add3A_66] : memref<262144xi32, #tpu.memory_space<hbm>> -> memref<512xi32, #tpu.memory_space<hbm>>
      %dma_wait3A_132 = tpu.memref_slice %arg3[%add3A_66] : memref<262144xi32, #tpu.memory_space<hbm>> -> memref<512xi32, #tpu.memory_space<hbm>>
      tpu.wait_dma2 semaphore(%run_scoped3A : memref<!tpu.dma_semaphore, #tpu.memory_space<semaphore_mem>>) src(%dma_wait3A_132 : memref<512xi32, #tpu.memory_space<hbm>>) dst(%arg5 : memref<512xi32, #tpu.memory_space<vmem>>)
      tpu.yield
    }) : () -> ()
    %dma_start3A_67 = arith.constant 0 : i32
    %dma_start3A_68 = arith.constant 0 : i32
    %dma_start3A_69 = tpu.memref_slice %arg2[%dma_start3A_67, %dma_start3A_68] : memref<16384x128xf32, #tpu.memory_space<hbm>> -> memref<16384x128xf32, #tpu.memory_space<hbm>>
    tpu.enqueue_indirect_dma source(%dma_start3A_69 : memref<16384x128xf32, #tpu.memory_space<hbm>>) target(%arg6 : memref<512x128xf32, #tpu.memory_space<vmem>>) offsets(%arg5 : memref<512xi32, #tpu.memory_space<vmem>>) semaphore(%arg7 : memref<!tpu.dma_semaphore, #tpu.memory_space<semaphore_mem>>)
    %dma_wait3A_70 = arith.constant 0 : i32
    %dma_wait3A_71 = arith.constant 0 : i32
    %dma_wait3A_72 = tpu.memref_slice %arg2[%dma_wait3A_70, %dma_wait3A_71] : memref<16384x128xf32, #tpu.memory_space<hbm>> -> memref<16384x128xf32, #tpu.memory_space<hbm>>
    tpu.wait_indirect_dma semaphore(%arg7 : memref<!tpu.dma_semaphore, #tpu.memory_space<semaphore_mem>>) src(%dma_wait3A_72 : memref<16384x128xf32, #tpu.memory_space<hbm>>) dst(%arg6 : memref<512x128xf32, #tpu.memory_space<vmem>>)
    "tpu.region"() ({
      %run_scoped3A = tpu.sem_alloc : memref<!tpu.dma_semaphore, #tpu.memory_space<semaphore_mem>>
      %dma_start3A_129 = arith.constant 0 : i32
      %dma_start3A_130 = tpu.memref_slice %arg4[%add3A_66, %dma_start3A_129] : memref<262144x128xf32, #tpu.memory_space<hbm>> -> memref<512x128xf32, #tpu.memory_space<hbm>>
      %dma_start3A_131 = arith.constant 0 : i32
      %dma_start3A_132 = tpu.memref_slice %arg4[%add3A_66, %dma_start3A_131] : memref<262144x128xf32, #tpu.memory_space<hbm>> -> memref<512x128xf32, #tpu.memory_space<hbm>>
      tpu.enqueue_dma source(%arg6 : memref<512x128xf32, #tpu.memory_space<vmem>>) target(%dma_start3A_132 : memref<512x128xf32, #tpu.memory_space<hbm>>) target_semaphore(%run_scoped3A : memref<!tpu.dma_semaphore, #tpu.memory_space<semaphore_mem>>)
      %dma_wait3A_133 = arith.constant 0 : i32
      %dma_wait3A_134 = tpu.memref_slice %arg4[%add3A_66, %dma_wait3A_133] : memref<262144x128xf32, #tpu.memory_space<hbm>> -> memref<512x128xf32, #tpu.memory_space<hbm>>
      %dma_wait3A_135 = arith.constant 0 : i32
      %dma_wait3A_136 = tpu.memref_slice %arg4[%add3A_66, %dma_wait3A_135] : memref<262144x128xf32, #tpu.memory_space<hbm>> -> memref<512x128xf32, #tpu.memory_space<hbm>>
      tpu.wait_dma2 semaphore(%run_scoped3A : memref<!tpu.dma_semaphore, #tpu.memory_space<semaphore_mem>>) src(%arg6 : memref<512x128xf32, #tpu.memory_space<vmem>>) dst(%dma_wait3A_136 : memref<512x128xf32, #tpu.memory_space<hbm>>)
      tpu.yield
    }) : () -> ()
    %add3A_73 = arith.constant 4608 : i32
    %add3A_74 = arith.addi %mul3A_2, %add3A_73 : i32
    "tpu.region"() ({
      %run_scoped3A = tpu.sem_alloc : memref<!tpu.dma_semaphore, #tpu.memory_space<semaphore_mem>>
      %dma_start3A_129 = tpu.memref_slice %arg3[%add3A_74] : memref<262144xi32, #tpu.memory_space<hbm>> -> memref<512xi32, #tpu.memory_space<hbm>>
      %dma_start3A_130 = tpu.memref_slice %arg3[%add3A_74] : memref<262144xi32, #tpu.memory_space<hbm>> -> memref<512xi32, #tpu.memory_space<hbm>>
      tpu.enqueue_dma source(%dma_start3A_130 : memref<512xi32, #tpu.memory_space<hbm>>) target(%arg5 : memref<512xi32, #tpu.memory_space<vmem>>) target_semaphore(%run_scoped3A : memref<!tpu.dma_semaphore, #tpu.memory_space<semaphore_mem>>)
      %dma_wait3A_131 = tpu.memref_slice %arg3[%add3A_74] : memref<262144xi32, #tpu.memory_space<hbm>> -> memref<512xi32, #tpu.memory_space<hbm>>
      %dma_wait3A_132 = tpu.memref_slice %arg3[%add3A_74] : memref<262144xi32, #tpu.memory_space<hbm>> -> memref<512xi32, #tpu.memory_space<hbm>>
      tpu.wait_dma2 semaphore(%run_scoped3A : memref<!tpu.dma_semaphore, #tpu.memory_space<semaphore_mem>>) src(%dma_wait3A_132 : memref<512xi32, #tpu.memory_space<hbm>>) dst(%arg5 : memref<512xi32, #tpu.memory_space<vmem>>)
      tpu.yield
    }) : () -> ()
    %dma_start3A_75 = arith.constant 0 : i32
    %dma_start3A_76 = arith.constant 0 : i32
    %dma_start3A_77 = tpu.memref_slice %arg2[%dma_start3A_75, %dma_start3A_76] : memref<16384x128xf32, #tpu.memory_space<hbm>> -> memref<16384x128xf32, #tpu.memory_space<hbm>>
    tpu.enqueue_indirect_dma source(%dma_start3A_77 : memref<16384x128xf32, #tpu.memory_space<hbm>>) target(%arg6 : memref<512x128xf32, #tpu.memory_space<vmem>>) offsets(%arg5 : memref<512xi32, #tpu.memory_space<vmem>>) semaphore(%arg7 : memref<!tpu.dma_semaphore, #tpu.memory_space<semaphore_mem>>)
    %dma_wait3A_78 = arith.constant 0 : i32
    %dma_wait3A_79 = arith.constant 0 : i32
    %dma_wait3A_80 = tpu.memref_slice %arg2[%dma_wait3A_78, %dma_wait3A_79] : memref<16384x128xf32, #tpu.memory_space<hbm>> -> memref<16384x128xf32, #tpu.memory_space<hbm>>
    tpu.wait_indirect_dma semaphore(%arg7 : memref<!tpu.dma_semaphore, #tpu.memory_space<semaphore_mem>>) src(%dma_wait3A_80 : memref<16384x128xf32, #tpu.memory_space<hbm>>) dst(%arg6 : memref<512x128xf32, #tpu.memory_space<vmem>>)
    "tpu.region"() ({
      %run_scoped3A = tpu.sem_alloc : memref<!tpu.dma_semaphore, #tpu.memory_space<semaphore_mem>>
      %dma_start3A_129 = arith.constant 0 : i32
      %dma_start3A_130 = tpu.memref_slice %arg4[%add3A_74, %dma_start3A_129] : memref<262144x128xf32, #tpu.memory_space<hbm>> -> memref<512x128xf32, #tpu.memory_space<hbm>>
      %dma_start3A_131 = arith.constant 0 : i32
      %dma_start3A_132 = tpu.memref_slice %arg4[%add3A_74, %dma_start3A_131] : memref<262144x128xf32, #tpu.memory_space<hbm>> -> memref<512x128xf32, #tpu.memory_space<hbm>>
      tpu.enqueue_dma source(%arg6 : memref<512x128xf32, #tpu.memory_space<vmem>>) target(%dma_start3A_132 : memref<512x128xf32, #tpu.memory_space<hbm>>) target_semaphore(%run_scoped3A : memref<!tpu.dma_semaphore, #tpu.memory_space<semaphore_mem>>)
      %dma_wait3A_133 = arith.constant 0 : i32
      %dma_wait3A_134 = tpu.memref_slice %arg4[%add3A_74, %dma_wait3A_133] : memref<262144x128xf32, #tpu.memory_space<hbm>> -> memref<512x128xf32, #tpu.memory_space<hbm>>
      %dma_wait3A_135 = arith.constant 0 : i32
      %dma_wait3A_136 = tpu.memref_slice %arg4[%add3A_74, %dma_wait3A_135] : memref<262144x128xf32, #tpu.memory_space<hbm>> -> memref<512x128xf32, #tpu.memory_space<hbm>>
      tpu.wait_dma2 semaphore(%run_scoped3A : memref<!tpu.dma_semaphore, #tpu.memory_space<semaphore_mem>>) src(%arg6 : memref<512x128xf32, #tpu.memory_space<vmem>>) dst(%dma_wait3A_136 : memref<512x128xf32, #tpu.memory_space<hbm>>)
      tpu.yield
    }) : () -> ()
    %add3A_81 = arith.constant 5120 : i32
    %add3A_82 = arith.addi %mul3A_2, %add3A_81 : i32
    "tpu.region"() ({
      %run_scoped3A = tpu.sem_alloc : memref<!tpu.dma_semaphore, #tpu.memory_space<semaphore_mem>>
      %dma_start3A_129 = tpu.memref_slice %arg3[%add3A_82] : memref<262144xi32, #tpu.memory_space<hbm>> -> memref<512xi32, #tpu.memory_space<hbm>>
      %dma_start3A_130 = tpu.memref_slice %arg3[%add3A_82] : memref<262144xi32, #tpu.memory_space<hbm>> -> memref<512xi32, #tpu.memory_space<hbm>>
      tpu.enqueue_dma source(%dma_start3A_130 : memref<512xi32, #tpu.memory_space<hbm>>) target(%arg5 : memref<512xi32, #tpu.memory_space<vmem>>) target_semaphore(%run_scoped3A : memref<!tpu.dma_semaphore, #tpu.memory_space<semaphore_mem>>)
      %dma_wait3A_131 = tpu.memref_slice %arg3[%add3A_82] : memref<262144xi32, #tpu.memory_space<hbm>> -> memref<512xi32, #tpu.memory_space<hbm>>
      %dma_wait3A_132 = tpu.memref_slice %arg3[%add3A_82] : memref<262144xi32, #tpu.memory_space<hbm>> -> memref<512xi32, #tpu.memory_space<hbm>>
      tpu.wait_dma2 semaphore(%run_scoped3A : memref<!tpu.dma_semaphore, #tpu.memory_space<semaphore_mem>>) src(%dma_wait3A_132 : memref<512xi32, #tpu.memory_space<hbm>>) dst(%arg5 : memref<512xi32, #tpu.memory_space<vmem>>)
      tpu.yield
    }) : () -> ()
    %dma_start3A_83 = arith.constant 0 : i32
    %dma_start3A_84 = arith.constant 0 : i32
    %dma_start3A_85 = tpu.memref_slice %arg2[%dma_start3A_83, %dma_start3A_84] : memref<16384x128xf32, #tpu.memory_space<hbm>> -> memref<16384x128xf32, #tpu.memory_space<hbm>>
    tpu.enqueue_indirect_dma source(%dma_start3A_85 : memref<16384x128xf32, #tpu.memory_space<hbm>>) target(%arg6 : memref<512x128xf32, #tpu.memory_space<vmem>>) offsets(%arg5 : memref<512xi32, #tpu.memory_space<vmem>>) semaphore(%arg7 : memref<!tpu.dma_semaphore, #tpu.memory_space<semaphore_mem>>)
    %dma_wait3A_86 = arith.constant 0 : i32
    %dma_wait3A_87 = arith.constant 0 : i32
    %dma_wait3A_88 = tpu.memref_slice %arg2[%dma_wait3A_86, %dma_wait3A_87] : memref<16384x128xf32, #tpu.memory_space<hbm>> -> memref<16384x128xf32, #tpu.memory_space<hbm>>
    tpu.wait_indirect_dma semaphore(%arg7 : memref<!tpu.dma_semaphore, #tpu.memory_space<semaphore_mem>>) src(%dma_wait3A_88 : memref<16384x128xf32, #tpu.memory_space<hbm>>) dst(%arg6 : memref<512x128xf32, #tpu.memory_space<vmem>>)
    "tpu.region"() ({
      %run_scoped3A = tpu.sem_alloc : memref<!tpu.dma_semaphore, #tpu.memory_space<semaphore_mem>>
      %dma_start3A_129 = arith.constant 0 : i32
      %dma_start3A_130 = tpu.memref_slice %arg4[%add3A_82, %dma_start3A_129] : memref<262144x128xf32, #tpu.memory_space<hbm>> -> memref<512x128xf32, #tpu.memory_space<hbm>>
      %dma_start3A_131 = arith.constant 0 : i32
      %dma_start3A_132 = tpu.memref_slice %arg4[%add3A_82, %dma_start3A_131] : memref<262144x128xf32, #tpu.memory_space<hbm>> -> memref<512x128xf32, #tpu.memory_space<hbm>>
      tpu.enqueue_dma source(%arg6 : memref<512x128xf32, #tpu.memory_space<vmem>>) target(%dma_start3A_132 : memref<512x128xf32, #tpu.memory_space<hbm>>) target_semaphore(%run_scoped3A : memref<!tpu.dma_semaphore, #tpu.memory_space<semaphore_mem>>)
      %dma_wait3A_133 = arith.constant 0 : i32
      %dma_wait3A_134 = tpu.memref_slice %arg4[%add3A_82, %dma_wait3A_133] : memref<262144x128xf32, #tpu.memory_space<hbm>> -> memref<512x128xf32, #tpu.memory_space<hbm>>
      %dma_wait3A_135 = arith.constant 0 : i32
      %dma_wait3A_136 = tpu.memref_slice %arg4[%add3A_82, %dma_wait3A_135] : memref<262144x128xf32, #tpu.memory_space<hbm>> -> memref<512x128xf32, #tpu.memory_space<hbm>>
      tpu.wait_dma2 semaphore(%run_scoped3A : memref<!tpu.dma_semaphore, #tpu.memory_space<semaphore_mem>>) src(%arg6 : memref<512x128xf32, #tpu.memory_space<vmem>>) dst(%dma_wait3A_136 : memref<512x128xf32, #tpu.memory_space<hbm>>)
      tpu.yield
    }) : () -> ()
    %add3A_89 = arith.constant 5632 : i32
    %add3A_90 = arith.addi %mul3A_2, %add3A_89 : i32
    "tpu.region"() ({
      %run_scoped3A = tpu.sem_alloc : memref<!tpu.dma_semaphore, #tpu.memory_space<semaphore_mem>>
      %dma_start3A_129 = tpu.memref_slice %arg3[%add3A_90] : memref<262144xi32, #tpu.memory_space<hbm>> -> memref<512xi32, #tpu.memory_space<hbm>>
      %dma_start3A_130 = tpu.memref_slice %arg3[%add3A_90] : memref<262144xi32, #tpu.memory_space<hbm>> -> memref<512xi32, #tpu.memory_space<hbm>>
      tpu.enqueue_dma source(%dma_start3A_130 : memref<512xi32, #tpu.memory_space<hbm>>) target(%arg5 : memref<512xi32, #tpu.memory_space<vmem>>) target_semaphore(%run_scoped3A : memref<!tpu.dma_semaphore, #tpu.memory_space<semaphore_mem>>)
      %dma_wait3A_131 = tpu.memref_slice %arg3[%add3A_90] : memref<262144xi32, #tpu.memory_space<hbm>> -> memref<512xi32, #tpu.memory_space<hbm>>
      %dma_wait3A_132 = tpu.memref_slice %arg3[%add3A_90] : memref<262144xi32, #tpu.memory_space<hbm>> -> memref<512xi32, #tpu.memory_space<hbm>>
      tpu.wait_dma2 semaphore(%run_scoped3A : memref<!tpu.dma_semaphore, #tpu.memory_space<semaphore_mem>>) src(%dma_wait3A_132 : memref<512xi32, #tpu.memory_space<hbm>>) dst(%arg5 : memref<512xi32, #tpu.memory_space<vmem>>)
      tpu.yield
    }) : () -> ()
    %dma_start3A_91 = arith.constant 0 : i32
    %dma_start3A_92 = arith.constant 0 : i32
    %dma_start3A_93 = tpu.memref_slice %arg2[%dma_start3A_91, %dma_start3A_92] : memref<16384x128xf32, #tpu.memory_space<hbm>> -> memref<16384x128xf32, #tpu.memory_space<hbm>>
    tpu.enqueue_indirect_dma source(%dma_start3A_93 : memref<16384x128xf32, #tpu.memory_space<hbm>>) target(%arg6 : memref<512x128xf32, #tpu.memory_space<vmem>>) offsets(%arg5 : memref<512xi32, #tpu.memory_space<vmem>>) semaphore(%arg7 : memref<!tpu.dma_semaphore, #tpu.memory_space<semaphore_mem>>)
    %dma_wait3A_94 = arith.constant 0 : i32
    %dma_wait3A_95 = arith.constant 0 : i32
    %dma_wait3A_96 = tpu.memref_slice %arg2[%dma_wait3A_94, %dma_wait3A_95] : memref<16384x128xf32, #tpu.memory_space<hbm>> -> memref<16384x128xf32, #tpu.memory_space<hbm>>
    tpu.wait_indirect_dma semaphore(%arg7 : memref<!tpu.dma_semaphore, #tpu.memory_space<semaphore_mem>>) src(%dma_wait3A_96 : memref<16384x128xf32, #tpu.memory_space<hbm>>) dst(%arg6 : memref<512x128xf32, #tpu.memory_space<vmem>>)
    "tpu.region"() ({
      %run_scoped3A = tpu.sem_alloc : memref<!tpu.dma_semaphore, #tpu.memory_space<semaphore_mem>>
      %dma_start3A_129 = arith.constant 0 : i32
      %dma_start3A_130 = tpu.memref_slice %arg4[%add3A_90, %dma_start3A_129] : memref<262144x128xf32, #tpu.memory_space<hbm>> -> memref<512x128xf32, #tpu.memory_space<hbm>>
      %dma_start3A_131 = arith.constant 0 : i32
      %dma_start3A_132 = tpu.memref_slice %arg4[%add3A_90, %dma_start3A_131] : memref<262144x128xf32, #tpu.memory_space<hbm>> -> memref<512x128xf32, #tpu.memory_space<hbm>>
      tpu.enqueue_dma source(%arg6 : memref<512x128xf32, #tpu.memory_space<vmem>>) target(%dma_start3A_132 : memref<512x128xf32, #tpu.memory_space<hbm>>) target_semaphore(%run_scoped3A : memref<!tpu.dma_semaphore, #tpu.memory_space<semaphore_mem>>)
      %dma_wait3A_133 = arith.constant 0 : i32
      %dma_wait3A_134 = tpu.memref_slice %arg4[%add3A_90, %dma_wait3A_133] : memref<262144x128xf32, #tpu.memory_space<hbm>> -> memref<512x128xf32, #tpu.memory_space<hbm>>
      %dma_wait3A_135 = arith.constant 0 : i32
      %dma_wait3A_136 = tpu.memref_slice %arg4[%add3A_90, %dma_wait3A_135] : memref<262144x128xf32, #tpu.memory_space<hbm>> -> memref<512x128xf32, #tpu.memory_space<hbm>>
      tpu.wait_dma2 semaphore(%run_scoped3A : memref<!tpu.dma_semaphore, #tpu.memory_space<semaphore_mem>>) src(%arg6 : memref<512x128xf32, #tpu.memory_space<vmem>>) dst(%dma_wait3A_136 : memref<512x128xf32, #tpu.memory_space<hbm>>)
      tpu.yield
    }) : () -> ()
    %add3A_97 = arith.constant 6144 : i32
    %add3A_98 = arith.addi %mul3A_2, %add3A_97 : i32
    "tpu.region"() ({
      %run_scoped3A = tpu.sem_alloc : memref<!tpu.dma_semaphore, #tpu.memory_space<semaphore_mem>>
      %dma_start3A_129 = tpu.memref_slice %arg3[%add3A_98] : memref<262144xi32, #tpu.memory_space<hbm>> -> memref<512xi32, #tpu.memory_space<hbm>>
      %dma_start3A_130 = tpu.memref_slice %arg3[%add3A_98] : memref<262144xi32, #tpu.memory_space<hbm>> -> memref<512xi32, #tpu.memory_space<hbm>>
      tpu.enqueue_dma source(%dma_start3A_130 : memref<512xi32, #tpu.memory_space<hbm>>) target(%arg5 : memref<512xi32, #tpu.memory_space<vmem>>) target_semaphore(%run_scoped3A : memref<!tpu.dma_semaphore, #tpu.memory_space<semaphore_mem>>)
      %dma_wait3A_131 = tpu.memref_slice %arg3[%add3A_98] : memref<262144xi32, #tpu.memory_space<hbm>> -> memref<512xi32, #tpu.memory_space<hbm>>
      %dma_wait3A_132 = tpu.memref_slice %arg3[%add3A_98] : memref<262144xi32, #tpu.memory_space<hbm>> -> memref<512xi32, #tpu.memory_space<hbm>>
      tpu.wait_dma2 semaphore(%run_scoped3A : memref<!tpu.dma_semaphore, #tpu.memory_space<semaphore_mem>>) src(%dma_wait3A_132 : memref<512xi32, #tpu.memory_space<hbm>>) dst(%arg5 : memref<512xi32, #tpu.memory_space<vmem>>)
      tpu.yield
    }) : () -> ()
    %dma_start3A_99 = arith.constant 0 : i32
    %dma_start3A_100 = arith.constant 0 : i32
    %dma_start3A_101 = tpu.memref_slice %arg2[%dma_start3A_99, %dma_start3A_100] : memref<16384x128xf32, #tpu.memory_space<hbm>> -> memref<16384x128xf32, #tpu.memory_space<hbm>>
    tpu.enqueue_indirect_dma source(%dma_start3A_101 : memref<16384x128xf32, #tpu.memory_space<hbm>>) target(%arg6 : memref<512x128xf32, #tpu.memory_space<vmem>>) offsets(%arg5 : memref<512xi32, #tpu.memory_space<vmem>>) semaphore(%arg7 : memref<!tpu.dma_semaphore, #tpu.memory_space<semaphore_mem>>)
    %dma_wait3A_102 = arith.constant 0 : i32
    %dma_wait3A_103 = arith.constant 0 : i32
    %dma_wait3A_104 = tpu.memref_slice %arg2[%dma_wait3A_102, %dma_wait3A_103] : memref<16384x128xf32, #tpu.memory_space<hbm>> -> memref<16384x128xf32, #tpu.memory_space<hbm>>
    tpu.wait_indirect_dma semaphore(%arg7 : memref<!tpu.dma_semaphore, #tpu.memory_space<semaphore_mem>>) src(%dma_wait3A_104 : memref<16384x128xf32, #tpu.memory_space<hbm>>) dst(%arg6 : memref<512x128xf32, #tpu.memory_space<vmem>>)
    "tpu.region"() ({
      %run_scoped3A = tpu.sem_alloc : memref<!tpu.dma_semaphore, #tpu.memory_space<semaphore_mem>>
      %dma_start3A_129 = arith.constant 0 : i32
      %dma_start3A_130 = tpu.memref_slice %arg4[%add3A_98, %dma_start3A_129] : memref<262144x128xf32, #tpu.memory_space<hbm>> -> memref<512x128xf32, #tpu.memory_space<hbm>>
      %dma_start3A_131 = arith.constant 0 : i32
      %dma_start3A_132 = tpu.memref_slice %arg4[%add3A_98, %dma_start3A_131] : memref<262144x128xf32, #tpu.memory_space<hbm>> -> memref<512x128xf32, #tpu.memory_space<hbm>>
      tpu.enqueue_dma source(%arg6 : memref<512x128xf32, #tpu.memory_space<vmem>>) target(%dma_start3A_132 : memref<512x128xf32, #tpu.memory_space<hbm>>) target_semaphore(%run_scoped3A : memref<!tpu.dma_semaphore, #tpu.memory_space<semaphore_mem>>)
      %dma_wait3A_133 = arith.constant 0 : i32
      %dma_wait3A_134 = tpu.memref_slice %arg4[%add3A_98, %dma_wait3A_133] : memref<262144x128xf32, #tpu.memory_space<hbm>> -> memref<512x128xf32, #tpu.memory_space<hbm>>
      %dma_wait3A_135 = arith.constant 0 : i32
      %dma_wait3A_136 = tpu.memref_slice %arg4[%add3A_98, %dma_wait3A_135] : memref<262144x128xf32, #tpu.memory_space<hbm>> -> memref<512x128xf32, #tpu.memory_space<hbm>>
      tpu.wait_dma2 semaphore(%run_scoped3A : memref<!tpu.dma_semaphore, #tpu.memory_space<semaphore_mem>>) src(%arg6 : memref<512x128xf32, #tpu.memory_space<vmem>>) dst(%dma_wait3A_136 : memref<512x128xf32, #tpu.memory_space<hbm>>)
      tpu.yield
    }) : () -> ()
    %add3A_105 = arith.constant 6656 : i32
    %add3A_106 = arith.addi %mul3A_2, %add3A_105 : i32
    "tpu.region"() ({
      %run_scoped3A = tpu.sem_alloc : memref<!tpu.dma_semaphore, #tpu.memory_space<semaphore_mem>>
      %dma_start3A_129 = tpu.memref_slice %arg3[%add3A_106] : memref<262144xi32, #tpu.memory_space<hbm>> -> memref<512xi32, #tpu.memory_space<hbm>>
      %dma_start3A_130 = tpu.memref_slice %arg3[%add3A_106] : memref<262144xi32, #tpu.memory_space<hbm>> -> memref<512xi32, #tpu.memory_space<hbm>>
      tpu.enqueue_dma source(%dma_start3A_130 : memref<512xi32, #tpu.memory_space<hbm>>) target(%arg5 : memref<512xi32, #tpu.memory_space<vmem>>) target_semaphore(%run_scoped3A : memref<!tpu.dma_semaphore, #tpu.memory_space<semaphore_mem>>)
      %dma_wait3A_131 = tpu.memref_slice %arg3[%add3A_106] : memref<262144xi32, #tpu.memory_space<hbm>> -> memref<512xi32, #tpu.memory_space<hbm>>
      %dma_wait3A_132 = tpu.memref_slice %arg3[%add3A_106] : memref<262144xi32, #tpu.memory_space<hbm>> -> memref<512xi32, #tpu.memory_space<hbm>>
      tpu.wait_dma2 semaphore(%run_scoped3A : memref<!tpu.dma_semaphore, #tpu.memory_space<semaphore_mem>>) src(%dma_wait3A_132 : memref<512xi32, #tpu.memory_space<hbm>>) dst(%arg5 : memref<512xi32, #tpu.memory_space<vmem>>)
      tpu.yield
    }) : () -> ()
    %dma_start3A_107 = arith.constant 0 : i32
    %dma_start3A_108 = arith.constant 0 : i32
    %dma_start3A_109 = tpu.memref_slice %arg2[%dma_start3A_107, %dma_start3A_108] : memref<16384x128xf32, #tpu.memory_space<hbm>> -> memref<16384x128xf32, #tpu.memory_space<hbm>>
    tpu.enqueue_indirect_dma source(%dma_start3A_109 : memref<16384x128xf32, #tpu.memory_space<hbm>>) target(%arg6 : memref<512x128xf32, #tpu.memory_space<vmem>>) offsets(%arg5 : memref<512xi32, #tpu.memory_space<vmem>>) semaphore(%arg7 : memref<!tpu.dma_semaphore, #tpu.memory_space<semaphore_mem>>)
    %dma_wait3A_110 = arith.constant 0 : i32
    %dma_wait3A_111 = arith.constant 0 : i32
    %dma_wait3A_112 = tpu.memref_slice %arg2[%dma_wait3A_110, %dma_wait3A_111] : memref<16384x128xf32, #tpu.memory_space<hbm>> -> memref<16384x128xf32, #tpu.memory_space<hbm>>
    tpu.wait_indirect_dma semaphore(%arg7 : memref<!tpu.dma_semaphore, #tpu.memory_space<semaphore_mem>>) src(%dma_wait3A_112 : memref<16384x128xf32, #tpu.memory_space<hbm>>) dst(%arg6 : memref<512x128xf32, #tpu.memory_space<vmem>>)
    "tpu.region"() ({
      %run_scoped3A = tpu.sem_alloc : memref<!tpu.dma_semaphore, #tpu.memory_space<semaphore_mem>>
      %dma_start3A_129 = arith.constant 0 : i32
      %dma_start3A_130 = tpu.memref_slice %arg4[%add3A_106, %dma_start3A_129] : memref<262144x128xf32, #tpu.memory_space<hbm>> -> memref<512x128xf32, #tpu.memory_space<hbm>>
      %dma_start3A_131 = arith.constant 0 : i32
      %dma_start3A_132 = tpu.memref_slice %arg4[%add3A_106, %dma_start3A_131] : memref<262144x128xf32, #tpu.memory_space<hbm>> -> memref<512x128xf32, #tpu.memory_space<hbm>>
      tpu.enqueue_dma source(%arg6 : memref<512x128xf32, #tpu.memory_space<vmem>>) target(%dma_start3A_132 : memref<512x128xf32, #tpu.memory_space<hbm>>) target_semaphore(%run_scoped3A : memref<!tpu.dma_semaphore, #tpu.memory_space<semaphore_mem>>)
      %dma_wait3A_133 = arith.constant 0 : i32
      %dma_wait3A_134 = tpu.memref_slice %arg4[%add3A_106, %dma_wait3A_133] : memref<262144x128xf32, #tpu.memory_space<hbm>> -> memref<512x128xf32, #tpu.memory_space<hbm>>
      %dma_wait3A_135 = arith.constant 0 : i32
      %dma_wait3A_136 = tpu.memref_slice %arg4[%add3A_106, %dma_wait3A_135] : memref<262144x128xf32, #tpu.memory_space<hbm>> -> memref<512x128xf32, #tpu.memory_space<hbm>>
      tpu.wait_dma2 semaphore(%run_scoped3A : memref<!tpu.dma_semaphore, #tpu.memory_space<semaphore_mem>>) src(%arg6 : memref<512x128xf32, #tpu.memory_space<vmem>>) dst(%dma_wait3A_136 : memref<512x128xf32, #tpu.memory_space<hbm>>)
      tpu.yield
    }) : () -> ()
    %add3A_113 = arith.constant 7168 : i32
    %add3A_114 = arith.addi %mul3A_2, %add3A_113 : i32
    "tpu.region"() ({
      %run_scoped3A = tpu.sem_alloc : memref<!tpu.dma_semaphore, #tpu.memory_space<semaphore_mem>>
      %dma_start3A_129 = tpu.memref_slice %arg3[%add3A_114] : memref<262144xi32, #tpu.memory_space<hbm>> -> memref<512xi32, #tpu.memory_space<hbm>>
      %dma_start3A_130 = tpu.memref_slice %arg3[%add3A_114] : memref<262144xi32, #tpu.memory_space<hbm>> -> memref<512xi32, #tpu.memory_space<hbm>>
      tpu.enqueue_dma source(%dma_start3A_130 : memref<512xi32, #tpu.memory_space<hbm>>) target(%arg5 : memref<512xi32, #tpu.memory_space<vmem>>) target_semaphore(%run_scoped3A : memref<!tpu.dma_semaphore, #tpu.memory_space<semaphore_mem>>)
      %dma_wait3A_131 = tpu.memref_slice %arg3[%add3A_114] : memref<262144xi32, #tpu.memory_space<hbm>> -> memref<512xi32, #tpu.memory_space<hbm>>
      %dma_wait3A_132 = tpu.memref_slice %arg3[%add3A_114] : memref<262144xi32, #tpu.memory_space<hbm>> -> memref<512xi32, #tpu.memory_space<hbm>>
      tpu.wait_dma2 semaphore(%run_scoped3A : memref<!tpu.dma_semaphore, #tpu.memory_space<semaphore_mem>>) src(%dma_wait3A_132 : memref<512xi32, #tpu.memory_space<hbm>>) dst(%arg5 : memref<512xi32, #tpu.memory_space<vmem>>)
      tpu.yield
    }) : () -> ()
    %dma_start3A_115 = arith.constant 0 : i32
    %dma_start3A_116 = arith.constant 0 : i32
    %dma_start3A_117 = tpu.memref_slice %arg2[%dma_start3A_115, %dma_start3A_116] : memref<16384x128xf32, #tpu.memory_space<hbm>> -> memref<16384x128xf32, #tpu.memory_space<hbm>>
    tpu.enqueue_indirect_dma source(%dma_start3A_117 : memref<16384x128xf32, #tpu.memory_space<hbm>>) target(%arg6 : memref<512x128xf32, #tpu.memory_space<vmem>>) offsets(%arg5 : memref<512xi32, #tpu.memory_space<vmem>>) semaphore(%arg7 : memref<!tpu.dma_semaphore, #tpu.memory_space<semaphore_mem>>)
    %dma_wait3A_118 = arith.constant 0 : i32
    %dma_wait3A_119 = arith.constant 0 : i32
    %dma_wait3A_120 = tpu.memref_slice %arg2[%dma_wait3A_118, %dma_wait3A_119] : memref<16384x128xf32, #tpu.memory_space<hbm>> -> memref<16384x128xf32, #tpu.memory_space<hbm>>
    tpu.wait_indirect_dma semaphore(%arg7 : memref<!tpu.dma_semaphore, #tpu.memory_space<semaphore_mem>>) src(%dma_wait3A_120 : memref<16384x128xf32, #tpu.memory_space<hbm>>) dst(%arg6 : memref<512x128xf32, #tpu.memory_space<vmem>>)
    "tpu.region"() ({
      %run_scoped3A = tpu.sem_alloc : memref<!tpu.dma_semaphore, #tpu.memory_space<semaphore_mem>>
      %dma_start3A_129 = arith.constant 0 : i32
      %dma_start3A_130 = tpu.memref_slice %arg4[%add3A_114, %dma_start3A_129] : memref<262144x128xf32, #tpu.memory_space<hbm>> -> memref<512x128xf32, #tpu.memory_space<hbm>>
      %dma_start3A_131 = arith.constant 0 : i32
      %dma_start3A_132 = tpu.memref_slice %arg4[%add3A_114, %dma_start3A_131] : memref<262144x128xf32, #tpu.memory_space<hbm>> -> memref<512x128xf32, #tpu.memory_space<hbm>>
      tpu.enqueue_dma source(%arg6 : memref<512x128xf32, #tpu.memory_space<vmem>>) target(%dma_start3A_132 : memref<512x128xf32, #tpu.memory_space<hbm>>) target_semaphore(%run_scoped3A : memref<!tpu.dma_semaphore, #tpu.memory_space<semaphore_mem>>)
      %dma_wait3A_133 = arith.constant 0 : i32
      %dma_wait3A_134 = tpu.memref_slice %arg4[%add3A_114, %dma_wait3A_133] : memref<262144x128xf32, #tpu.memory_space<hbm>> -> memref<512x128xf32, #tpu.memory_space<hbm>>
      %dma_wait3A_135 = arith.constant 0 : i32
      %dma_wait3A_136 = tpu.memref_slice %arg4[%add3A_114, %dma_wait3A_135] : memref<262144x128xf32, #tpu.memory_space<hbm>> -> memref<512x128xf32, #tpu.memory_space<hbm>>
      tpu.wait_dma2 semaphore(%run_scoped3A : memref<!tpu.dma_semaphore, #tpu.memory_space<semaphore_mem>>) src(%arg6 : memref<512x128xf32, #tpu.memory_space<vmem>>) dst(%dma_wait3A_136 : memref<512x128xf32, #tpu.memory_space<hbm>>)
      tpu.yield
    }) : () -> ()
    %add3A_121 = arith.constant 7680 : i32
    %add3A_122 = arith.addi %mul3A_2, %add3A_121 : i32
    "tpu.region"() ({
      %run_scoped3A = tpu.sem_alloc : memref<!tpu.dma_semaphore, #tpu.memory_space<semaphore_mem>>
      %dma_start3A_129 = tpu.memref_slice %arg3[%add3A_122] : memref<262144xi32, #tpu.memory_space<hbm>> -> memref<512xi32, #tpu.memory_space<hbm>>
      %dma_start3A_130 = tpu.memref_slice %arg3[%add3A_122] : memref<262144xi32, #tpu.memory_space<hbm>> -> memref<512xi32, #tpu.memory_space<hbm>>
      tpu.enqueue_dma source(%dma_start3A_130 : memref<512xi32, #tpu.memory_space<hbm>>) target(%arg5 : memref<512xi32, #tpu.memory_space<vmem>>) target_semaphore(%run_scoped3A : memref<!tpu.dma_semaphore, #tpu.memory_space<semaphore_mem>>)
      %dma_wait3A_131 = tpu.memref_slice %arg3[%add3A_122] : memref<262144xi32, #tpu.memory_space<hbm>> -> memref<512xi32, #tpu.memory_space<hbm>>
      %dma_wait3A_132 = tpu.memref_slice %arg3[%add3A_122] : memref<262144xi32, #tpu.memory_space<hbm>> -> memref<512xi32, #tpu.memory_space<hbm>>
      tpu.wait_dma2 semaphore(%run_scoped3A : memref<!tpu.dma_semaphore, #tpu.memory_space<semaphore_mem>>) src(%dma_wait3A_132 : memref<512xi32, #tpu.memory_space<hbm>>) dst(%arg5 : memref<512xi32, #tpu.memory_space<vmem>>)
      tpu.yield
    }) : () -> ()
    %dma_start3A_123 = arith.constant 0 : i32
    %dma_start3A_124 = arith.constant 0 : i32
    %dma_start3A_125 = tpu.memref_slice %arg2[%dma_start3A_123, %dma_start3A_124] : memref<16384x128xf32, #tpu.memory_space<hbm>> -> memref<16384x128xf32, #tpu.memory_space<hbm>>
    tpu.enqueue_indirect_dma source(%dma_start3A_125 : memref<16384x128xf32, #tpu.memory_space<hbm>>) target(%arg6 : memref<512x128xf32, #tpu.memory_space<vmem>>) offsets(%arg5 : memref<512xi32, #tpu.memory_space<vmem>>) semaphore(%arg7 : memref<!tpu.dma_semaphore, #tpu.memory_space<semaphore_mem>>)
    %dma_wait3A_126 = arith.constant 0 : i32
    %dma_wait3A_127 = arith.constant 0 : i32
    %dma_wait3A_128 = tpu.memref_slice %arg2[%dma_wait3A_126, %dma_wait3A_127] : memref<16384x128xf32, #tpu.memory_space<hbm>> -> memref<16384x128xf32, #tpu.memory_space<hbm>>
    tpu.wait_indirect_dma semaphore(%arg7 : memref<!tpu.dma_semaphore, #tpu.memory_space<semaphore_mem>>) src(%dma_wait3A_128 : memref<16384x128xf32, #tpu.memory_space<hbm>>) dst(%arg6 : memref<512x128xf32, #tpu.memory_space<vmem>>)
    "tpu.region"() ({
      %run_scoped3A = tpu.sem_alloc : memref<!tpu.dma_semaphore, #tpu.memory_space<semaphore_mem>>
      %dma_start3A_129 = arith.constant 0 : i32
      %dma_start3A_130 = tpu.memref_slice %arg4[%add3A_122, %dma_start3A_129] : memref<262144x128xf32, #tpu.memory_space<hbm>> -> memref<512x128xf32, #tpu.memory_space<hbm>>
      %dma_start3A_131 = arith.constant 0 : i32
      %dma_start3A_132 = tpu.memref_slice %arg4[%add3A_122, %dma_start3A_131] : memref<262144x128xf32, #tpu.memory_space<hbm>> -> memref<512x128xf32, #tpu.memory_space<hbm>>
      tpu.enqueue_dma source(%arg6 : memref<512x128xf32, #tpu.memory_space<vmem>>) target(%dma_start3A_132 : memref<512x128xf32, #tpu.memory_space<hbm>>) target_semaphore(%run_scoped3A : memref<!tpu.dma_semaphore, #tpu.memory_space<semaphore_mem>>)
      %dma_wait3A_133 = arith.constant 0 : i32
      %dma_wait3A_134 = tpu.memref_slice %arg4[%add3A_122, %dma_wait3A_133] : memref<262144x128xf32, #tpu.memory_space<hbm>> -> memref<512x128xf32, #tpu.memory_space<hbm>>
      %dma_wait3A_135 = arith.constant 0 : i32
      %dma_wait3A_136 = tpu.memref_slice %arg4[%add3A_122, %dma_wait3A_135] : memref<262144x128xf32, #tpu.memory_space<hbm>> -> memref<512x128xf32, #tpu.memory_space<hbm>>
      tpu.wait_dma2 semaphore(%run_scoped3A : memref<!tpu.dma_semaphore, #tpu.memory_space<semaphore_mem>>) src(%arg6 : memref<512x128xf32, #tpu.memory_space<vmem>>) dst(%dma_wait3A_136 : memref<512x128xf32, #tpu.memory_space<hbm>>)
      tpu.yield
    }) : () -> ()
    return
  }
}

module attributes {stable_mosaic.version = 14 : i64} {
  func.func @_pre_kernel(%arg0: i32, %arg1: i32, %arg2: memref<1x64x2048xf32, #tpu.memory_space<vmem>>, %arg3: memref<64x64xf32, #tpu.memory_space<vmem>>, %arg4: memref<128x64xf32, #tpu.memory_space<vmem>>, %arg5: memref<1x64x2048xf32, #tpu.memory_space<vmem>>, %arg6: memref<1x128x2048xf32, #tpu.memory_space<vmem>>, %arg7: memref<64x2xf32, #tpu.memory_space<vmem>>, %arg8: memref<128x2xf32, #tpu.memory_space<vmem>>) attributes {dimension_semantics = [#tpu.dimension_semantics<arbitrary>, #tpu.dimension_semantics<arbitrary>], iteration_bounds = array<i64: 4, 2>, scalar_prefetch = 0 : i64, scratch_operands = 0 : i64, tpu.core_type = #tpu.core_type<tc>, window_params = [{transform_indices = @transform_0, window_bounds = array<i64: 1, 64, 2048>}, {pipeline_mode = #tpu.pipeline_mode<synchronous>, transform_indices = @transform_1, window_bounds = array<i64: 64, 64>}, {pipeline_mode = #tpu.pipeline_mode<synchronous>, transform_indices = @transform_2, window_bounds = array<i64: 128, 64>}, {transform_indices = @transform_3, window_bounds = array<i64: 1, 64, 2048>}, {transform_indices = @transform_4, window_bounds = array<i64: 1, 128, 2048>}, {pipeline_mode = #tpu.pipeline_mode<synchronous>, transform_indices = @transform_5, window_bounds = array<i64: 64, 2>}, {pipeline_mode = #tpu.pipeline_mode<synchronous>, transform_indices = @transform_6, window_bounds = array<i64: 128, 2>}]} {
    %eq3A = arith.constant 0 : i32
    %eq3A_0 = arith.cmpi eq, %arg0, %eq3A : i32
    %eq3A_1 = arith.constant 0 : i32
    %eq3A_2 = arith.cmpi eq, %arg1, %eq3A_1 : i32
    %and3A = arith.andi %eq3A_0, %eq3A_2 : i1
    %convert_element_type3A = arith.extui %and3A : i1 to i32
    %cond3A = arith.constant 0 : i32
    %cond3A_3 = arith.cmpi ne, %convert_element_type3A, %cond3A : i32
    scf.if %cond3A_3 {
      %broadcast_in_dim3A_53 = arith.constant 0.000000e+00 : f32
      %broadcast_in_dim3A_54 = vector.broadcast %broadcast_in_dim3A_53 : f32 to vector<64x2xf32>
      %swap3A_55 = arith.constant 0 : index
      %swap3A_56 = arith.constant 0 : index
      %swap3A_57 = vector.load %arg7[%swap3A_55, %swap3A_56] : memref<64x2xf32, #tpu.memory_space<vmem>>, vector<64x2xf32>
      tpu.vector_store %arg7[%swap3A_55, %swap3A_56], %broadcast_in_dim3A_54 {strides = array<i32>} : memref<64x2xf32, #tpu.memory_space<vmem>>, vector<64x2xf32>,
      %broadcast_in_dim3A_58 = arith.constant 0.000000e+00 : f32
      %broadcast_in_dim3A_59 = vector.broadcast %broadcast_in_dim3A_58 : f32 to vector<128x2xf32>
      %swap3A_60 = arith.constant 0 : index
      %swap3A_61 = arith.constant 0 : index
      %swap3A_62 = vector.load %arg8[%swap3A_60, %swap3A_61] : memref<128x2xf32, #tpu.memory_space<vmem>>, vector<128x2xf32>
      tpu.vector_store %arg8[%swap3A_60, %swap3A_61], %broadcast_in_dim3A_59 {strides = array<i32>} : memref<128x2xf32, #tpu.memory_space<vmem>>, vector<128x2xf32>,
    } else {
    }
    %get3A = arith.constant 0 : index
    %get3A_4 = arith.constant 0 : index
    %get3A_5 = arith.constant 0 : index
    %get3A_6 = vector.load %arg2[%get3A, %get3A_4, %get3A_5] : memref<1x64x2048xf32, #tpu.memory_space<vmem>>, vector<1x64x2048xf32>
    %get3A_7 = vector.shape_cast %get3A_6 : vector<1x64x2048xf32> to vector<64x2048xf32>
    %get3A_8 = arith.constant 0 : index
    %get3A_9 = arith.constant 0 : index
    %get3A_10 = vector.load %arg3[%get3A_8, %get3A_9] : memref<64x64xf32, #tpu.memory_space<vmem>>, vector<64x64xf32>
    %dot_general3A = arith.constant dense<0.000000e+00> : vector<64x2048xf32>
    %dot_general3A_11 = tpu.matmul %get3A_10, %get3A_7, %dot_general3A {dimension_numbers = #tpu.dot_dimension_numbers<[1], [0], [0], [1], [0, 0, 1, 1], [], []>, transpose_lhs_hint = false} : vector<64x64xf32>, vector<64x2048xf32>, vector<64x2048xf32> -> vector<64x2048xf32>
    %get3A_12 = arith.constant 0 : index
    %get3A_13 = arith.constant 0 : index
    %get3A_14 = vector.load %arg4[%get3A_12, %get3A_13] : memref<128x64xf32, #tpu.memory_space<vmem>>, vector<128x64xf32>
    %dot_general3A_15 = arith.constant dense<0.000000e+00> : vector<128x2048xf32>
    %dot_general3A_16 = tpu.matmul %get3A_14, %get3A_7, %dot_general3A_15 {dimension_numbers = #tpu.dot_dimension_numbers<[1], [0], [0], [1], [0, 0, 1, 1], [], []>, transpose_lhs_hint = false} : vector<128x64xf32>, vector<64x2048xf32>, vector<128x2048xf32> -> vector<128x2048xf32>
    %swap3A = arith.constant 0 : index
    %swap3A_17 = arith.constant 0 : index
    %swap3A_18 = arith.constant 0 : index
    %swap3A_19 = vector.load %arg5[%swap3A, %swap3A_17, %swap3A_18] : memref<1x64x2048xf32, #tpu.memory_space<vmem>>, vector<1x64x2048xf32>
    %swap3A_20 = vector.shape_cast %swap3A_19 : vector<1x64x2048xf32> to vector<64x2048xf32>
    %swap3A_21 = vector.shape_cast %dot_general3A_11 : vector<64x2048xf32> to vector<1x64x2048xf32>
    tpu.vector_store %arg5[%swap3A, %swap3A_17, %swap3A_18], %swap3A_21 {strides = array<i32>} : memref<1x64x2048xf32, #tpu.memory_space<vmem>>, vector<1x64x2048xf32>,
    %swap3A_22 = arith.constant 0 : index
    %swap3A_23 = arith.constant 0 : index
    %swap3A_24 = arith.constant 0 : index
    %swap3A_25 = vector.load %arg6[%swap3A_22, %swap3A_23, %swap3A_24] : memref<1x128x2048xf32, #tpu.memory_space<vmem>>, vector<1x128x2048xf32>
    %swap3A_26 = vector.shape_cast %swap3A_25 : vector<1x128x2048xf32> to vector<128x2048xf32>
    %swap3A_27 = vector.shape_cast %dot_general3A_16 : vector<128x2048xf32> to vector<1x128x2048xf32>
    tpu.vector_store %arg6[%swap3A_22, %swap3A_23, %swap3A_24], %swap3A_27 {strides = array<i32>} : memref<1x128x2048xf32, #tpu.memory_space<vmem>>, vector<1x128x2048xf32>,
    %get3A_28 = arith.constant 0 : index
    %get3A_29 = arith.constant 0 : index
    %get3A_30 = vector.load %arg7[%get3A_28, %get3A_29] : memref<64x2xf32, #tpu.memory_space<vmem>>, vector<64x2xf32>
    %reduce_sum3A = arith.constant dense<0.000000e+00> : vector<64xf32>
    %reduce_sum3A_31 = vector.multi_reduction <add>, %dot_general3A_11, %reduce_sum3A [1] : vector<64x2048xf32> to vector<64xf32>
    %broadcast_in_dim3A = vector.shape_cast %reduce_sum3A_31 : vector<64xf32> to vector<64x1xf32>
    %mul3A = arith.mulf %dot_general3A_11, %dot_general3A_11 : vector<64x2048xf32>
    %reduce_sum3A_32 = arith.constant dense<0.000000e+00> : vector<64xf32>
    %reduce_sum3A_33 = vector.multi_reduction <add>, %mul3A, %reduce_sum3A_32 [1] : vector<64x2048xf32> to vector<64xf32>
    %broadcast_in_dim3A_34 = vector.shape_cast %reduce_sum3A_33 : vector<64xf32> to vector<64x1xf32>
    %concatenate3A = tpu.concatenate %broadcast_in_dim3A, %broadcast_in_dim3A_34 in 1 : vector<64x1xf32>, vector<64x1xf32> -> vector<64x2xf32>
    %add3A = arith.addf %get3A_30, %concatenate3A : vector<64x2xf32>
    %swap3A_35 = arith.constant 0 : index
    %swap3A_36 = arith.constant 0 : index
    %swap3A_37 = vector.load %arg7[%swap3A_35, %swap3A_36] : memref<64x2xf32, #tpu.memory_space<vmem>>, vector<64x2xf32>
    tpu.vector_store %arg7[%swap3A_35, %swap3A_36], %add3A {strides = array<i32>} : memref<64x2xf32, #tpu.memory_space<vmem>>, vector<64x2xf32>,
    %get3A_38 = arith.constant 0 : index
    %get3A_39 = arith.constant 0 : index
    %get3A_40 = vector.load %arg8[%get3A_38, %get3A_39] : memref<128x2xf32, #tpu.memory_space<vmem>>, vector<128x2xf32>
    %reduce_sum3A_41 = arith.constant dense<0.000000e+00> : vector<128xf32>
    %reduce_sum3A_42 = vector.multi_reduction <add>, %dot_general3A_16, %reduce_sum3A_41 [1] : vector<128x2048xf32> to vector<128xf32>
    %broadcast_in_dim3A_43 = vector.shape_cast %reduce_sum3A_42 : vector<128xf32> to vector<128x1xf32>
    %mul3A_44 = arith.mulf %dot_general3A_16, %dot_general3A_16 : vector<128x2048xf32>
    %reduce_sum3A_45 = arith.constant dense<0.000000e+00> : vector<128xf32>
    %reduce_sum3A_46 = vector.multi_reduction <add>, %mul3A_44, %reduce_sum3A_45 [1] : vector<128x2048xf32> to vector<128xf32>
    %broadcast_in_dim3A_47 = vector.shape_cast %reduce_sum3A_46 : vector<128xf32> to vector<128x1xf32>
    %concatenate3A_48 = tpu.concatenate %broadcast_in_dim3A_43, %broadcast_in_dim3A_47 in 1 : vector<128x1xf32>, vector<128x1xf32> -> vector<128x2xf32>
    %add3A_49 = arith.addf %get3A_40, %concatenate3A_48 : vector<128x2xf32>
    %swap3A_50 = arith.constant 0 : index
    %swap3A_51 = arith.constant 0 : index
    %swap3A_52 = vector.load %arg8[%swap3A_50, %swap3A_51] : memref<128x2xf32, #tpu.memory_space<vmem>>, vector<128x2xf32>
    tpu.vector_store %arg8[%swap3A_50, %swap3A_51], %add3A_49 {strides = array<i32>} : memref<128x2xf32, #tpu.memory_space<vmem>>, vector<128x2xf32>,
    return
  }
  func.func @transform_0(%arg0: i32, %arg1: i32) -> (i32, i32, i32) {
    %c0_i32 = arith.constant 0 : i32
    %c0_i32_0 = arith.constant 0 : i32
    return %arg0, %c0_i32, %arg1 : i32, i32, i32
  }
  func.func @transform_1(%arg0: i32, %arg1: i32) -> (i32, i32) {
    %c0_i32 = arith.constant 0 : i32
    %c0_i32_0 = arith.constant 0 : i32
    %c0_i32_1 = arith.constant 0 : i32
    return %c0_i32, %c0_i32_0 : i32, i32
  }
  func.func @transform_2(%arg0: i32, %arg1: i32) -> (i32, i32) {
    %c0_i32 = arith.constant 0 : i32
    %c0_i32_0 = arith.constant 0 : i32
    %c0_i32_1 = arith.constant 0 : i32
    return %c0_i32, %c0_i32_0 : i32, i32
  }
  func.func @transform_3(%arg0: i32, %arg1: i32) -> (i32, i32, i32) {
    %c0_i32 = arith.constant 0 : i32
    %c0_i32_0 = arith.constant 0 : i32
    return %arg0, %c0_i32, %arg1 : i32, i32, i32
  }
  func.func @transform_4(%arg0: i32, %arg1: i32) -> (i32, i32, i32) {
    %c0_i32 = arith.constant 0 : i32
    %c0_i32_0 = arith.constant 0 : i32
    return %arg0, %c0_i32, %arg1 : i32, i32, i32
  }
  func.func @transform_5(%arg0: i32, %arg1: i32) -> (i32, i32) {
    %c0_i32 = arith.constant 0 : i32
    %c0_i32_0 = arith.constant 0 : i32
    %c0_i32_1 = arith.constant 0 : i32
    return %c0_i32, %c0_i32_0 : i32, i32
  }
  func.func @transform_6(%arg0: i32, %arg1: i32) -> (i32, i32) {
    %c0_i32 = arith.constant 0 : i32
    %c0_i32_0 = arith.constant 0 : i32
    %c0_i32_1 = arith.constant 0 : i32
    return %c0_i32, %c0_i32_0 : i32, i32
  }
}

module attributes {stable_mosaic.version = 14 : i64} {
  func.func @_fuv_kernel(%arg0: i32, %arg1: i32, %arg2: memref<1x64x2048xf32, #tpu.memory_space<vmem>>, %arg3: memref<1x3x2048xf32, #tpu.memory_space<vmem>>, %arg4: memref<128x64xf32, #tpu.memory_space<vmem>>, %arg5: memref<128x64xf32, #tpu.memory_space<vmem>>, %arg6: memref<128x3xf32, #tpu.memory_space<vmem>>, %arg7: memref<64x1xf32, #tpu.memory_space<vmem>>, %arg8: memref<64x1xf32, #tpu.memory_space<vmem>>, %arg9: memref<1x128x2048xf32, #tpu.memory_space<vmem>>, %arg10: memref<1x128x2048xf32, #tpu.memory_space<vmem>>) attributes {dimension_semantics = [#tpu.dimension_semantics<arbitrary>, #tpu.dimension_semantics<arbitrary>], iteration_bounds = array<i64: 4, 2>, scalar_prefetch = 0 : i64, scratch_operands = 0 : i64, tpu.core_type = #tpu.core_type<tc>, window_params = [{transform_indices = @transform_0, window_bounds = array<i64: 1, 64, 2048>}, {transform_indices = @transform_1, window_bounds = array<i64: 1, 3, 2048>}, {pipeline_mode = #tpu.pipeline_mode<synchronous>, transform_indices = @transform_2, window_bounds = array<i64: 128, 64>}, {pipeline_mode = #tpu.pipeline_mode<synchronous>, transform_indices = @transform_3, window_bounds = array<i64: 128, 64>}, {pipeline_mode = #tpu.pipeline_mode<synchronous>, transform_indices = @transform_4, window_bounds = array<i64: 128, 3>}, {pipeline_mode = #tpu.pipeline_mode<synchronous>, transform_indices = @transform_5, window_bounds = array<i64: 64, 1>}, {pipeline_mode = #tpu.pipeline_mode<synchronous>, transform_indices = @transform_6, window_bounds = array<i64: 64, 1>}, {transform_indices = @transform_7, window_bounds = array<i64: 1, 128, 2048>}, {transform_indices = @transform_8, window_bounds = array<i64: 1, 128, 2048>}]} {
    %get3A = arith.constant 0 : index
    %get3A_0 = arith.constant 0 : index
    %get3A_1 = arith.constant 0 : index
    %get3A_2 = vector.load %arg2[%get3A, %get3A_0, %get3A_1] : memref<1x64x2048xf32, #tpu.memory_space<vmem>>, vector<1x64x2048xf32>
    %get3A_3 = vector.shape_cast %get3A_2 : vector<1x64x2048xf32> to vector<64x2048xf32>
    %get3A_4 = arith.constant 0 : index
    %get3A_5 = arith.constant 0 : index
    %get3A_6 = arith.constant 0 : index
    %get3A_7 = vector.load %arg3[%get3A_4, %get3A_5, %get3A_6] : memref<1x3x2048xf32, #tpu.memory_space<vmem>>, vector<1x3x2048xf32>
    %get3A_8 = vector.shape_cast %get3A_7 : vector<1x3x2048xf32> to vector<3x2048xf32>
    %get3A_9 = arith.constant 0 : index
    %get3A_10 = arith.constant 0 : index
    %get3A_11 = vector.load %arg7[%get3A_9, %get3A_10] : memref<64x1xf32, #tpu.memory_space<vmem>>, vector<64x1xf32>
    %mul3A = vector.broadcast %get3A_11 : vector<64x1xf32> to vector<64x2048xf32>
    %mul3A_12 = arith.mulf %get3A_3, %mul3A : vector<64x2048xf32>
    %get3A_13 = arith.constant 0 : index
    %get3A_14 = arith.constant 0 : index
    %get3A_15 = vector.load %arg8[%get3A_13, %get3A_14] : memref<64x1xf32, #tpu.memory_space<vmem>>, vector<64x1xf32>
    %add3A = vector.broadcast %get3A_15 : vector<64x1xf32> to vector<64x2048xf32>
    %add3A_16 = arith.addf %mul3A_12, %add3A : vector<64x2048xf32>
    %ge3A = arith.constant 0.000000e+00 : f32
    %ge3A_17 = vector.broadcast %ge3A : f32 to vector<64x2048xf32>
    %ge3A_18 = arith.cmpf oge, %add3A_16, %ge3A_17 : vector<64x2048xf32>
    %mul3A_19 = arith.constant 2.000000e-01 : f32
    %mul3A_20 = vector.broadcast %mul3A_19 : f32 to vector<64x2048xf32>
    %mul3A_21 = arith.mulf %mul3A_20, %add3A_16 : vector<64x2048xf32>
    %select_n3A = arith.select %ge3A_18, %add3A_16, %mul3A_21 : vector<64x2048xi1>, vector<64x2048xf32>
    %get3A_22 = arith.constant 0 : index
    %get3A_23 = arith.constant 0 : index
    %get3A_24 = vector.load %arg6[%get3A_22, %get3A_23] : memref<128x3xf32, #tpu.memory_space<vmem>>, vector<128x3xf32>
    %slice3A = vector.extract_strided_slice %get3A_24 {offsets = [0, 0], sizes = [128, 1], strides = [1, 1]} : vector<128x3xf32> to vector<128x1xf32>
    %slice3A_25 = vector.extract_strided_slice %get3A_8 {offsets = [0, 0], sizes = [1, 2048], strides = [1, 1]} : vector<3x2048xf32> to vector<1x2048xf32>
    %mul3A_26 = vector.broadcast %slice3A : vector<128x1xf32> to vector<128x2048xf32>
    %mul3A_27 = vector.broadcast %slice3A_25 : vector<1x2048xf32> to vector<128x2048xf32>
    %mul3A_28 = arith.mulf %mul3A_26, %mul3A_27 : vector<128x2048xf32>
    %slice3A_29 = vector.extract_strided_slice %get3A_24 {offsets = [0, 1], sizes = [128, 1], strides = [1, 1]} : vector<128x3xf32> to vector<128x1xf32>
    %slice3A_30 = vector.extract_strided_slice %get3A_8 {offsets = [1, 0], sizes = [1, 2048], strides = [1, 1]} : vector<3x2048xf32> to vector<1x2048xf32>
    %mul3A_31 = vector.broadcast %slice3A_29 : vector<128x1xf32> to vector<128x2048xf32>
    %mul3A_32 = vector.broadcast %slice3A_30 : vector<1x2048xf32> to vector<128x2048xf32>
    %mul3A_33 = arith.mulf %mul3A_31, %mul3A_32 : vector<128x2048xf32>
    %add3A_34 = arith.addf %mul3A_28, %mul3A_33 : vector<128x2048xf32>
    %slice3A_35 = vector.extract_strided_slice %get3A_24 {offsets = [0, 2], sizes = [128, 1], strides = [1, 1]} : vector<128x3xf32> to vector<128x1xf32>
    %slice3A_36 = vector.extract_strided_slice %get3A_8 {offsets = [2, 0], sizes = [1, 2048], strides = [1, 1]} : vector<3x2048xf32> to vector<1x2048xf32>
    %mul3A_37 = vector.broadcast %slice3A_35 : vector<128x1xf32> to vector<128x2048xf32>
    %mul3A_38 = vector.broadcast %slice3A_36 : vector<1x2048xf32> to vector<128x2048xf32>
    %mul3A_39 = arith.mulf %mul3A_37, %mul3A_38 : vector<128x2048xf32>
    %add3A_40 = arith.addf %add3A_34, %mul3A_39 : vector<128x2048xf32>
    %get3A_41 = arith.constant 0 : index
    %get3A_42 = arith.constant 0 : index
    %get3A_43 = vector.load %arg4[%get3A_41, %get3A_42] : memref<128x64xf32, #tpu.memory_space<vmem>>, vector<128x64xf32>
    %dot_general3A = arith.constant dense<0.000000e+00> : vector<128x2048xf32>
    %dot_general3A_44 = tpu.matmul %get3A_43, %select_n3A, %dot_general3A {dimension_numbers = #tpu.dot_dimension_numbers<[1], [0], [0], [1], [0, 0, 1, 1], [], []>, transpose_lhs_hint = false} : vector<128x64xf32>, vector<64x2048xf32>, vector<128x2048xf32> -> vector<128x2048xf32>
    %add3A_45 = arith.addf %dot_general3A_44, %add3A_40 : vector<128x2048xf32>
    %swap3A = arith.constant 0 : index
    %swap3A_46 = arith.constant 0 : index
    %swap3A_47 = arith.constant 0 : index
    %swap3A_48 = vector.load %arg9[%swap3A, %swap3A_46, %swap3A_47] : memref<1x128x2048xf32, #tpu.memory_space<vmem>>, vector<1x128x2048xf32>
    %swap3A_49 = vector.shape_cast %swap3A_48 : vector<1x128x2048xf32> to vector<128x2048xf32>
    %swap3A_50 = vector.shape_cast %add3A_45 : vector<128x2048xf32> to vector<1x128x2048xf32>
    tpu.vector_store %arg9[%swap3A, %swap3A_46, %swap3A_47], %swap3A_50 {strides = array<i32>} : memref<1x128x2048xf32, #tpu.memory_space<vmem>>, vector<1x128x2048xf32>,
    %get3A_51 = arith.constant 0 : index
    %get3A_52 = arith.constant 0 : index
    %get3A_53 = vector.load %arg5[%get3A_51, %get3A_52] : memref<128x64xf32, #tpu.memory_space<vmem>>, vector<128x64xf32>
    %dot_general3A_54 = arith.constant dense<0.000000e+00> : vector<128x2048xf32>
    %dot_general3A_55 = tpu.matmul %get3A_53, %select_n3A, %dot_general3A_54 {dimension_numbers = #tpu.dot_dimension_numbers<[1], [0], [0], [1], [0, 0, 1, 1], [], []>, transpose_lhs_hint = false} : vector<128x64xf32>, vector<64x2048xf32>, vector<128x2048xf32> -> vector<128x2048xf32>
    %sub3A = arith.subf %dot_general3A_55, %add3A_40 : vector<128x2048xf32>
    %swap3A_56 = arith.constant 0 : index
    %swap3A_57 = arith.constant 0 : index
    %swap3A_58 = arith.constant 0 : index
    %swap3A_59 = vector.load %arg10[%swap3A_56, %swap3A_57, %swap3A_58] : memref<1x128x2048xf32, #tpu.memory_space<vmem>>, vector<1x128x2048xf32>
    %swap3A_60 = vector.shape_cast %swap3A_59 : vector<1x128x2048xf32> to vector<128x2048xf32>
    %swap3A_61 = vector.shape_cast %sub3A : vector<128x2048xf32> to vector<1x128x2048xf32>
    tpu.vector_store %arg10[%swap3A_56, %swap3A_57, %swap3A_58], %swap3A_61 {strides = array<i32>} : memref<1x128x2048xf32, #tpu.memory_space<vmem>>, vector<1x128x2048xf32>,
    return
  }
  func.func @transform_0(%arg0: i32, %arg1: i32) -> (i32, i32, i32) {
    %c0_i32 = arith.constant 0 : i32
    %c0_i32_0 = arith.constant 0 : i32
    return %arg0, %c0_i32, %arg1 : i32, i32, i32
  }
  func.func @transform_1(%arg0: i32, %arg1: i32) -> (i32, i32, i32) {
    %c0_i32 = arith.constant 0 : i32
    %c0_i32_0 = arith.constant 0 : i32
    return %arg0, %c0_i32, %arg1 : i32, i32, i32
  }
  func.func @transform_2(%arg0: i32, %arg1: i32) -> (i32, i32) {
    %c0_i32 = arith.constant 0 : i32
    %c0_i32_0 = arith.constant 0 : i32
    %c0_i32_1 = arith.constant 0 : i32
    return %c0_i32, %c0_i32_0 : i32, i32
  }
  func.func @transform_3(%arg0: i32, %arg1: i32) -> (i32, i32) {
    %c0_i32 = arith.constant 0 : i32
    %c0_i32_0 = arith.constant 0 : i32
    %c0_i32_1 = arith.constant 0 : i32
    return %c0_i32, %c0_i32_0 : i32, i32
  }
  func.func @transform_4(%arg0: i32, %arg1: i32) -> (i32, i32) {
    %c0_i32 = arith.constant 0 : i32
    %c0_i32_0 = arith.constant 0 : i32
    %c0_i32_1 = arith.constant 0 : i32
    return %c0_i32, %c0_i32_0 : i32, i32
  }
  func.func @transform_5(%arg0: i32, %arg1: i32) -> (i32, i32) {
    %c0_i32 = arith.constant 0 : i32
    %c0_i32_0 = arith.constant 0 : i32
    %c0_i32_1 = arith.constant 0 : i32
    return %c0_i32, %c0_i32_0 : i32, i32
  }
  func.func @transform_6(%arg0: i32, %arg1: i32) -> (i32, i32) {
    %c0_i32 = arith.constant 0 : i32
    %c0_i32_0 = arith.constant 0 : i32
    %c0_i32_1 = arith.constant 0 : i32
    return %c0_i32, %c0_i32_0 : i32, i32
  }
  func.func @transform_7(%arg0: i32, %arg1: i32) -> (i32, i32, i32) {
    %c0_i32 = arith.constant 0 : i32
    %c0_i32_0 = arith.constant 0 : i32
    return %arg0, %c0_i32, %arg1 : i32, i32, i32
  }
  func.func @transform_8(%arg0: i32, %arg1: i32) -> (i32, i32, i32) {
    %c0_i32 = arith.constant 0 : i32
    %c0_i32_0 = arith.constant 0 : i32
    return %arg0, %c0_i32, %arg1 : i32, i32, i32
  }
}

module attributes {stable_mosaic.version = 14 : i64} {
  func.func @_knn_kernel(%arg0: i32, %arg1: i32, %arg2: memref<1x256x3xf32, #tpu.memory_space<vmem>>, %arg3: memref<1x3x4096xf32, #tpu.memory_space<vmem>>, %arg4: memref<1x256x17xi32, #tpu.memory_space<vmem>>, %arg5: memref<1x256x17xf32, #tpu.memory_space<vmem>>) attributes {dimension_semantics = [#tpu.dimension_semantics<arbitrary>, #tpu.dimension_semantics<arbitrary>], iteration_bounds = array<i64: 4, 16>, scalar_prefetch = 0 : i64, scratch_operands = 0 : i64, tpu.core_type = #tpu.core_type<tc>, window_params = [{transform_indices = @transform_0, window_bounds = array<i64: 1, 256, 3>}, {transform_indices = @transform_1, window_bounds = array<i64: 1, 3, 4096>}, {transform_indices = @transform_2, window_bounds = array<i64: 1, 256, 17>}, {transform_indices = @transform_3, window_bounds = array<i64: 1, 256, 17>}]} {
    %get3A = arith.constant 0 : index
    %get3A_0 = arith.constant 0 : index
    %get3A_1 = arith.constant 0 : index
    %get3A_2 = vector.load %arg2[%get3A, %get3A_0, %get3A_1] : memref<1x256x3xf32, #tpu.memory_space<vmem>>, vector<1x256x3xf32>
    %get3A_3 = vector.shape_cast %get3A_2 : vector<1x256x3xf32> to vector<256x3xf32>
    %get3A_4 = arith.constant 0 : index
    %get3A_5 = arith.constant 0 : index
    %get3A_6 = arith.constant 0 : index
    %get3A_7 = vector.load %arg3[%get3A_4, %get3A_5, %get3A_6] : memref<1x3x4096xf32, #tpu.memory_space<vmem>>, vector<1x3x4096xf32>
    %get3A_8 = vector.shape_cast %get3A_7 : vector<1x3x4096xf32> to vector<3x4096xf32>
    %mul3A = arith.mulf %get3A_8, %get3A_8 : vector<3x4096xf32>
    %reduce_sum3A = arith.constant dense<0.000000e+00> : vector<4096xf32>
    %reduce_sum3A_9 = vector.multi_reduction <add>, %mul3A, %reduce_sum3A [0] : vector<3x4096xf32> to vector<4096xf32>
    %broadcast_in_dim3A = vector.shape_cast %reduce_sum3A_9 : vector<4096xf32> to vector<1x4096xf32>
    %mul3A_10 = arith.mulf %get3A_3, %get3A_3 : vector<256x3xf32>
    %reduce_sum3A_11 = arith.constant dense<0.000000e+00> : vector<256xf32>
    %reduce_sum3A_12 = vector.multi_reduction <add>, %mul3A_10, %reduce_sum3A_11 [1] : vector<256x3xf32> to vector<256xf32>
    %broadcast_in_dim3A_13 = vector.shape_cast %reduce_sum3A_12 : vector<256xf32> to vector<256x1xf32>
    %convert_element_type3A = arith.truncf %get3A_3 : vector<256x3xf32> to vector<256x3xbf16>
    %convert_element_type3A_14 = arith.truncf %get3A_8 : vector<3x4096xf32> to vector<3x4096xbf16>
    %dot_general3A = arith.constant dense<0.000000e+00> : vector<256x4096xf32>
    %dot_general3A_15 = tpu.matmul %convert_element_type3A, %convert_element_type3A_14, %dot_general3A {dimension_numbers = #tpu.dot_dimension_numbers<[1], [0], [0], [1], [0, 0, 1, 1], [], []>, transpose_lhs_hint = false} : vector<256x3xbf16>, vector<3x4096xbf16>, vector<256x4096xf32> -> vector<256x4096xf32>
    %add3A = vector.broadcast %broadcast_in_dim3A_13 : vector<256x1xf32> to vector<256x4096xf32>
    %add3A_16 = vector.broadcast %broadcast_in_dim3A : vector<1x4096xf32> to vector<256x4096xf32>
    %add3A_17 = arith.addf %add3A, %add3A_16 : vector<256x4096xf32>
    %mul3A_18 = arith.constant 2.000000e+00 : f32
    %mul3A_19 = vector.broadcast %mul3A_18 : f32 to vector<256x4096xf32>
    %mul3A_20 = arith.mulf %mul3A_19, %dot_general3A_15 : vector<256x4096xf32>
    %sub3A = arith.subf %add3A_17, %mul3A_20 : vector<256x4096xf32>
    %max3A = arith.constant 0.000000e+00 : f32
    %max3A_21 = vector.broadcast %max3A : f32 to vector<256x4096xf32>
    %max3A_22 = arith.maximumf %sub3A, %max3A_21 : vector<256x4096xf32>
    %iota3A = tpu.iota {dimensions = array<i32: 1>} : vector<256x4096xi32>
    %reduce_min3A = arith.constant dense<0x7F800000> : vector<256xf32>
    %reduce_min3A_23 = vector.multi_reduction <minimumf>, %max3A_22, %reduce_min3A [1] : vector<256x4096xf32> to vector<256xf32>
    %broadcast_in_dim3A_24 = vector.shape_cast %reduce_min3A_23 : vector<256xf32> to vector<256x1xf32>
    %eq3A = vector.broadcast %broadcast_in_dim3A_24 : vector<256x1xf32> to vector<256x4096xf32>
    %eq3A_25 = arith.cmpf oeq, %max3A_22, %eq3A : vector<256x4096xf32>
    %jit3A = arith.constant 4096 : i32
    %broadcast_in_dim3A_26 = vector.broadcast %jit3A : i32 to vector<256x4096xi32>
    %select_n3A = arith.select %eq3A_25, %iota3A, %broadcast_in_dim3A_26 : vector<256x4096xi1>, vector<256x4096xi32>
    %reduce_min3A_27 = arith.constant dense<2147483647> : vector<256xi32>
    %reduce_min3A_28 = vector.multi_reduction <minsi>, %select_n3A, %reduce_min3A_27 [1] : vector<256x4096xi32> to vector<256xi32>
    %broadcast_in_dim3A_29 = vector.shape_cast %reduce_min3A_28 : vector<256xi32> to vector<256x1xi32>
    %eq3A_30 = vector.broadcast %broadcast_in_dim3A_29 : vector<256x1xi32> to vector<256x4096xi32>
    %eq3A_31 = arith.cmpi eq, %iota3A, %eq3A_30 : vector<256x4096xi32>
    %jit3A_32 = arith.constant 0x7F800000 : f32
    %broadcast_in_dim3A_33 = vector.broadcast %jit3A_32 : f32 to vector<256x4096xf32>
    %select_n3A_34 = arith.select %eq3A_31, %broadcast_in_dim3A_33, %max3A_22 : vector<256x4096xi1>, vector<256x4096xf32>
    %reduce_min3A_35 = arith.constant dense<0x7F800000> : vector<256xf32>
    %reduce_min3A_36 = vector.multi_reduction <minimumf>, %select_n3A_34, %reduce_min3A_35 [1] : vector<256x4096xf32> to vector<256xf32>
    %broadcast_in_dim3A_37 = vector.shape_cast %reduce_min3A_36 : vector<256xf32> to vector<256x1xf32>
    %eq3A_38 = vector.broadcast %broadcast_in_dim3A_37 : vector<256x1xf32> to vector<256x4096xf32>
    %eq3A_39 = arith.cmpf oeq, %select_n3A_34, %eq3A_38 : vector<256x4096xf32>
    %jit3A_40 = arith.constant 4096 : i32
    %broadcast_in_dim3A_41 = vector.broadcast %jit3A_40 : i32 to vector<256x4096xi32>
    %select_n3A_42 = arith.select %eq3A_39, %iota3A, %broadcast_in_dim3A_41 : vector<256x4096xi1>, vector<256x4096xi32>
    %reduce_min3A_43 = arith.constant dense<2147483647> : vector<256xi32>
    %reduce_min3A_44 = vector.multi_reduction <minsi>, %select_n3A_42, %reduce_min3A_43 [1] : vector<256x4096xi32> to vector<256xi32>
    %broadcast_in_dim3A_45 = vector.shape_cast %reduce_min3A_44 : vector<256xi32> to vector<256x1xi32>
    %eq3A_46 = vector.broadcast %broadcast_in_dim3A_45 : vector<256x1xi32> to vector<256x4096xi32>
    %eq3A_47 = arith.cmpi eq, %iota3A, %eq3A_46 : vector<256x4096xi32>
    %jit3A_48 = arith.constant 0x7F800000 : f32
    %broadcast_in_dim3A_49 = vector.broadcast %jit3A_48 : f32 to vector<256x4096xf32>
    %select_n3A_50 = arith.select %eq3A_47, %broadcast_in_dim3A_49, %select_n3A_34 : vector<256x4096xi1>, vector<256x4096xf32>
    %reduce_min3A_51 = arith.constant dense<0x7F800000> : vector<256xf32>
    %reduce_min3A_52 = vector.multi_reduction <minimumf>, %select_n3A_50, %reduce_min3A_51 [1] : vector<256x4096xf32> to vector<256xf32>
    %broadcast_in_dim3A_53 = vector.shape_cast %reduce_min3A_52 : vector<256xf32> to vector<256x1xf32>
    %eq3A_54 = vector.broadcast %broadcast_in_dim3A_53 : vector<256x1xf32> to vector<256x4096xf32>
    %eq3A_55 = arith.cmpf oeq, %select_n3A_50, %eq3A_54 : vector<256x4096xf32>
    %jit3A_56 = arith.constant 4096 : i32
    %broadcast_in_dim3A_57 = vector.broadcast %jit3A_56 : i32 to vector<256x4096xi32>
    %select_n3A_58 = arith.select %eq3A_55, %iota3A, %broadcast_in_dim3A_57 : vector<256x4096xi1>, vector<256x4096xi32>
    %reduce_min3A_59 = arith.constant dense<2147483647> : vector<256xi32>
    %reduce_min3A_60 = vector.multi_reduction <minsi>, %select_n3A_58, %reduce_min3A_59 [1] : vector<256x4096xi32> to vector<256xi32>
    %broadcast_in_dim3A_61 = vector.shape_cast %reduce_min3A_60 : vector<256xi32> to vector<256x1xi32>
    %eq3A_62 = vector.broadcast %broadcast_in_dim3A_61 : vector<256x1xi32> to vector<256x4096xi32>
    %eq3A_63 = arith.cmpi eq, %iota3A, %eq3A_62 : vector<256x4096xi32>
    %jit3A_64 = arith.constant 0x7F800000 : f32
    %broadcast_in_dim3A_65 = vector.broadcast %jit3A_64 : f32 to vector<256x4096xf32>
    %select_n3A_66 = arith.select %eq3A_63, %broadcast_in_dim3A_65, %select_n3A_50 : vector<256x4096xi1>, vector<256x4096xf32>
    %reduce_min3A_67 = arith.constant dense<0x7F800000> : vector<256xf32>
    %reduce_min3A_68 = vector.multi_reduction <minimumf>, %select_n3A_66, %reduce_min3A_67 [1] : vector<256x4096xf32> to vector<256xf32>
    %broadcast_in_dim3A_69 = vector.shape_cast %reduce_min3A_68 : vector<256xf32> to vector<256x1xf32>
    %eq3A_70 = vector.broadcast %broadcast_in_dim3A_69 : vector<256x1xf32> to vector<256x4096xf32>
    %eq3A_71 = arith.cmpf oeq, %select_n3A_66, %eq3A_70 : vector<256x4096xf32>
    %jit3A_72 = arith.constant 4096 : i32
    %broadcast_in_dim3A_73 = vector.broadcast %jit3A_72 : i32 to vector<256x4096xi32>
    %select_n3A_74 = arith.select %eq3A_71, %iota3A, %broadcast_in_dim3A_73 : vector<256x4096xi1>, vector<256x4096xi32>
    %reduce_min3A_75 = arith.constant dense<2147483647> : vector<256xi32>
    %reduce_min3A_76 = vector.multi_reduction <minsi>, %select_n3A_74, %reduce_min3A_75 [1] : vector<256x4096xi32> to vector<256xi32>
    %broadcast_in_dim3A_77 = vector.shape_cast %reduce_min3A_76 : vector<256xi32> to vector<256x1xi32>
    %eq3A_78 = vector.broadcast %broadcast_in_dim3A_77 : vector<256x1xi32> to vector<256x4096xi32>
    %eq3A_79 = arith.cmpi eq, %iota3A, %eq3A_78 : vector<256x4096xi32>
    %jit3A_80 = arith.constant 0x7F800000 : f32
    %broadcast_in_dim3A_81 = vector.broadcast %jit3A_80 : f32 to vector<256x4096xf32>
    %select_n3A_82 = arith.select %eq3A_79, %broadcast_in_dim3A_81, %select_n3A_66 : vector<256x4096xi1>, vector<256x4096xf32>
    %reduce_min3A_83 = arith.constant dense<0x7F800000> : vector<256xf32>
    %reduce_min3A_84 = vector.multi_reduction <minimumf>, %select_n3A_82, %reduce_min3A_83 [1] : vector<256x4096xf32> to vector<256xf32>
    %broadcast_in_dim3A_85 = vector.shape_cast %reduce_min3A_84 : vector<256xf32> to vector<256x1xf32>
    %eq3A_86 = vector.broadcast %broadcast_in_dim3A_85 : vector<256x1xf32> to vector<256x4096xf32>
    %eq3A_87 = arith.cmpf oeq, %select_n3A_82, %eq3A_86 : vector<256x4096xf32>
    %jit3A_88 = arith.constant 4096 : i32
    %broadcast_in_dim3A_89 = vector.broadcast %jit3A_88 : i32 to vector<256x4096xi32>
    %select_n3A_90 = arith.select %eq3A_87, %iota3A, %broadcast_in_dim3A_89 : vector<256x4096xi1>, vector<256x4096xi32>
    %reduce_min3A_91 = arith.constant dense<2147483647> : vector<256xi32>
    %reduce_min3A_92 = vector.multi_reduction <minsi>, %select_n3A_90, %reduce_min3A_91 [1] : vector<256x4096xi32> to vector<256xi32>
    %broadcast_in_dim3A_93 = vector.shape_cast %reduce_min3A_92 : vector<256xi32> to vector<256x1xi32>
    %eq3A_94 = vector.broadcast %broadcast_in_dim3A_93 : vector<256x1xi32> to vector<256x4096xi32>
    %eq3A_95 = arith.cmpi eq, %iota3A, %eq3A_94 : vector<256x4096xi32>
    %jit3A_96 = arith.constant 0x7F800000 : f32
    %broadcast_in_dim3A_97 = vector.broadcast %jit3A_96 : f32 to vector<256x4096xf32>
    %select_n3A_98 = arith.select %eq3A_95, %broadcast_in_dim3A_97, %select_n3A_82 : vector<256x4096xi1>, vector<256x4096xf32>
    %reduce_min3A_99 = arith.constant dense<0x7F800000> : vector<256xf32>
    %reduce_min3A_100 = vector.multi_reduction <minimumf>, %select_n3A_98, %reduce_min3A_99 [1] : vector<256x4096xf32> to vector<256xf32>
    %broadcast_in_dim3A_101 = vector.shape_cast %reduce_min3A_100 : vector<256xf32> to vector<256x1xf32>
    %eq3A_102 = vector.broadcast %broadcast_in_dim3A_101 : vector<256x1xf32> to vector<256x4096xf32>
    %eq3A_103 = arith.cmpf oeq, %select_n3A_98, %eq3A_102 : vector<256x4096xf32>
    %jit3A_104 = arith.constant 4096 : i32
    %broadcast_in_dim3A_105 = vector.broadcast %jit3A_104 : i32 to vector<256x4096xi32>
    %select_n3A_106 = arith.select %eq3A_103, %iota3A, %broadcast_in_dim3A_105 : vector<256x4096xi1>, vector<256x4096xi32>
    %reduce_min3A_107 = arith.constant dense<2147483647> : vector<256xi32>
    %reduce_min3A_108 = vector.multi_reduction <minsi>, %select_n3A_106, %reduce_min3A_107 [1] : vector<256x4096xi32> to vector<256xi32>
    %broadcast_in_dim3A_109 = vector.shape_cast %reduce_min3A_108 : vector<256xi32> to vector<256x1xi32>
    %eq3A_110 = vector.broadcast %broadcast_in_dim3A_109 : vector<256x1xi32> to vector<256x4096xi32>
    %eq3A_111 = arith.cmpi eq, %iota3A, %eq3A_110 : vector<256x4096xi32>
    %jit3A_112 = arith.constant 0x7F800000 : f32
    %broadcast_in_dim3A_113 = vector.broadcast %jit3A_112 : f32 to vector<256x4096xf32>
    %select_n3A_114 = arith.select %eq3A_111, %broadcast_in_dim3A_113, %select_n3A_98 : vector<256x4096xi1>, vector<256x4096xf32>
    %reduce_min3A_115 = arith.constant dense<0x7F800000> : vector<256xf32>
    %reduce_min3A_116 = vector.multi_reduction <minimumf>, %select_n3A_114, %reduce_min3A_115 [1] : vector<256x4096xf32> to vector<256xf32>
    %broadcast_in_dim3A_117 = vector.shape_cast %reduce_min3A_116 : vector<256xf32> to vector<256x1xf32>
    %eq3A_118 = vector.broadcast %broadcast_in_dim3A_117 : vector<256x1xf32> to vector<256x4096xf32>
    %eq3A_119 = arith.cmpf oeq, %select_n3A_114, %eq3A_118 : vector<256x4096xf32>
    %jit3A_120 = arith.constant 4096 : i32
    %broadcast_in_dim3A_121 = vector.broadcast %jit3A_120 : i32 to vector<256x4096xi32>
    %select_n3A_122 = arith.select %eq3A_119, %iota3A, %broadcast_in_dim3A_121 : vector<256x4096xi1>, vector<256x4096xi32>
    %reduce_min3A_123 = arith.constant dense<2147483647> : vector<256xi32>
    %reduce_min3A_124 = vector.multi_reduction <minsi>, %select_n3A_122, %reduce_min3A_123 [1] : vector<256x4096xi32> to vector<256xi32>
    %broadcast_in_dim3A_125 = vector.shape_cast %reduce_min3A_124 : vector<256xi32> to vector<256x1xi32>
    %eq3A_126 = vector.broadcast %broadcast_in_dim3A_125 : vector<256x1xi32> to vector<256x4096xi32>
    %eq3A_127 = arith.cmpi eq, %iota3A, %eq3A_126 : vector<256x4096xi32>
    %jit3A_128 = arith.constant 0x7F800000 : f32
    %broadcast_in_dim3A_129 = vector.broadcast %jit3A_128 : f32 to vector<256x4096xf32>
    %select_n3A_130 = arith.select %eq3A_127, %broadcast_in_dim3A_129, %select_n3A_114 : vector<256x4096xi1>, vector<256x4096xf32>
    %reduce_min3A_131 = arith.constant dense<0x7F800000> : vector<256xf32>
    %reduce_min3A_132 = vector.multi_reduction <minimumf>, %select_n3A_130, %reduce_min3A_131 [1] : vector<256x4096xf32> to vector<256xf32>
    %broadcast_in_dim3A_133 = vector.shape_cast %reduce_min3A_132 : vector<256xf32> to vector<256x1xf32>
    %eq3A_134 = vector.broadcast %broadcast_in_dim3A_133 : vector<256x1xf32> to vector<256x4096xf32>
    %eq3A_135 = arith.cmpf oeq, %select_n3A_130, %eq3A_134 : vector<256x4096xf32>
    %jit3A_136 = arith.constant 4096 : i32
    %broadcast_in_dim3A_137 = vector.broadcast %jit3A_136 : i32 to vector<256x4096xi32>
    %select_n3A_138 = arith.select %eq3A_135, %iota3A, %broadcast_in_dim3A_137 : vector<256x4096xi1>, vector<256x4096xi32>
    %reduce_min3A_139 = arith.constant dense<2147483647> : vector<256xi32>
    %reduce_min3A_140 = vector.multi_reduction <minsi>, %select_n3A_138, %reduce_min3A_139 [1] : vector<256x4096xi32> to vector<256xi32>
    %broadcast_in_dim3A_141 = vector.shape_cast %reduce_min3A_140 : vector<256xi32> to vector<256x1xi32>
    %eq3A_142 = vector.broadcast %broadcast_in_dim3A_141 : vector<256x1xi32> to vector<256x4096xi32>
    %eq3A_143 = arith.cmpi eq, %iota3A, %eq3A_142 : vector<256x4096xi32>
    %jit3A_144 = arith.constant 0x7F800000 : f32
    %broadcast_in_dim3A_145 = vector.broadcast %jit3A_144 : f32 to vector<256x4096xf32>
    %select_n3A_146 = arith.select %eq3A_143, %broadcast_in_dim3A_145, %select_n3A_130 : vector<256x4096xi1>, vector<256x4096xf32>
    %reduce_min3A_147 = arith.constant dense<0x7F800000> : vector<256xf32>
    %reduce_min3A_148 = vector.multi_reduction <minimumf>, %select_n3A_146, %reduce_min3A_147 [1] : vector<256x4096xf32> to vector<256xf32>
    %broadcast_in_dim3A_149 = vector.shape_cast %reduce_min3A_148 : vector<256xf32> to vector<256x1xf32>
    %eq3A_150 = vector.broadcast %broadcast_in_dim3A_149 : vector<256x1xf32> to vector<256x4096xf32>
    %eq3A_151 = arith.cmpf oeq, %select_n3A_146, %eq3A_150 : vector<256x4096xf32>
    %jit3A_152 = arith.constant 4096 : i32
    %broadcast_in_dim3A_153 = vector.broadcast %jit3A_152 : i32 to vector<256x4096xi32>
    %select_n3A_154 = arith.select %eq3A_151, %iota3A, %broadcast_in_dim3A_153 : vector<256x4096xi1>, vector<256x4096xi32>
    %reduce_min3A_155 = arith.constant dense<2147483647> : vector<256xi32>
    %reduce_min3A_156 = vector.multi_reduction <minsi>, %select_n3A_154, %reduce_min3A_155 [1] : vector<256x4096xi32> to vector<256xi32>
    %broadcast_in_dim3A_157 = vector.shape_cast %reduce_min3A_156 : vector<256xi32> to vector<256x1xi32>
    %eq3A_158 = vector.broadcast %broadcast_in_dim3A_157 : vector<256x1xi32> to vector<256x4096xi32>
    %eq3A_159 = arith.cmpi eq, %iota3A, %eq3A_158 : vector<256x4096xi32>
    %jit3A_160 = arith.constant 0x7F800000 : f32
    %broadcast_in_dim3A_161 = vector.broadcast %jit3A_160 : f32 to vector<256x4096xf32>
    %select_n3A_162 = arith.select %eq3A_159, %broadcast_in_dim3A_161, %select_n3A_146 : vector<256x4096xi1>, vector<256x4096xf32>
    %reduce_min3A_163 = arith.constant dense<0x7F800000> : vector<256xf32>
    %reduce_min3A_164 = vector.multi_reduction <minimumf>, %select_n3A_162, %reduce_min3A_163 [1] : vector<256x4096xf32> to vector<256xf32>
    %broadcast_in_dim3A_165 = vector.shape_cast %reduce_min3A_164 : vector<256xf32> to vector<256x1xf32>
    %eq3A_166 = vector.broadcast %broadcast_in_dim3A_165 : vector<256x1xf32> to vector<256x4096xf32>
    %eq3A_167 = arith.cmpf oeq, %select_n3A_162, %eq3A_166 : vector<256x4096xf32>
    %jit3A_168 = arith.constant 4096 : i32
    %broadcast_in_dim3A_169 = vector.broadcast %jit3A_168 : i32 to vector<256x4096xi32>
    %select_n3A_170 = arith.select %eq3A_167, %iota3A, %broadcast_in_dim3A_169 : vector<256x4096xi1>, vector<256x4096xi32>
    %reduce_min3A_171 = arith.constant dense<2147483647> : vector<256xi32>
    %reduce_min3A_172 = vector.multi_reduction <minsi>, %select_n3A_170, %reduce_min3A_171 [1] : vector<256x4096xi32> to vector<256xi32>
    %broadcast_in_dim3A_173 = vector.shape_cast %reduce_min3A_172 : vector<256xi32> to vector<256x1xi32>
    %eq3A_174 = vector.broadcast %broadcast_in_dim3A_173 : vector<256x1xi32> to vector<256x4096xi32>
    %eq3A_175 = arith.cmpi eq, %iota3A, %eq3A_174 : vector<256x4096xi32>
    %jit3A_176 = arith.constant 0x7F800000 : f32
    %broadcast_in_dim3A_177 = vector.broadcast %jit3A_176 : f32 to vector<256x4096xf32>
    %select_n3A_178 = arith.select %eq3A_175, %broadcast_in_dim3A_177, %select_n3A_162 : vector<256x4096xi1>, vector<256x4096xf32>
    %reduce_min3A_179 = arith.constant dense<0x7F800000> : vector<256xf32>
    %reduce_min3A_180 = vector.multi_reduction <minimumf>, %select_n3A_178, %reduce_min3A_179 [1] : vector<256x4096xf32> to vector<256xf32>
    %broadcast_in_dim3A_181 = vector.shape_cast %reduce_min3A_180 : vector<256xf32> to vector<256x1xf32>
    %eq3A_182 = vector.broadcast %broadcast_in_dim3A_181 : vector<256x1xf32> to vector<256x4096xf32>
    %eq3A_183 = arith.cmpf oeq, %select_n3A_178, %eq3A_182 : vector<256x4096xf32>
    %jit3A_184 = arith.constant 4096 : i32
    %broadcast_in_dim3A_185 = vector.broadcast %jit3A_184 : i32 to vector<256x4096xi32>
    %select_n3A_186 = arith.select %eq3A_183, %iota3A, %broadcast_in_dim3A_185 : vector<256x4096xi1>, vector<256x4096xi32>
    %reduce_min3A_187 = arith.constant dense<2147483647> : vector<256xi32>
    %reduce_min3A_188 = vector.multi_reduction <minsi>, %select_n3A_186, %reduce_min3A_187 [1] : vector<256x4096xi32> to vector<256xi32>
    %broadcast_in_dim3A_189 = vector.shape_cast %reduce_min3A_188 : vector<256xi32> to vector<256x1xi32>
    %eq3A_190 = vector.broadcast %broadcast_in_dim3A_189 : vector<256x1xi32> to vector<256x4096xi32>
    %eq3A_191 = arith.cmpi eq, %iota3A, %eq3A_190 : vector<256x4096xi32>
    %jit3A_192 = arith.constant 0x7F800000 : f32
    %broadcast_in_dim3A_193 = vector.broadcast %jit3A_192 : f32 to vector<256x4096xf32>
    %select_n3A_194 = arith.select %eq3A_191, %broadcast_in_dim3A_193, %select_n3A_178 : vector<256x4096xi1>, vector<256x4096xf32>
    %reduce_min3A_195 = arith.constant dense<0x7F800000> : vector<256xf32>
    %reduce_min3A_196 = vector.multi_reduction <minimumf>, %select_n3A_194, %reduce_min3A_195 [1] : vector<256x4096xf32> to vector<256xf32>
    %broadcast_in_dim3A_197 = vector.shape_cast %reduce_min3A_196 : vector<256xf32> to vector<256x1xf32>
    %eq3A_198 = vector.broadcast %broadcast_in_dim3A_197 : vector<256x1xf32> to vector<256x4096xf32>
    %eq3A_199 = arith.cmpf oeq, %select_n3A_194, %eq3A_198 : vector<256x4096xf32>
    %jit3A_200 = arith.constant 4096 : i32
    %broadcast_in_dim3A_201 = vector.broadcast %jit3A_200 : i32 to vector<256x4096xi32>
    %select_n3A_202 = arith.select %eq3A_199, %iota3A, %broadcast_in_dim3A_201 : vector<256x4096xi1>, vector<256x4096xi32>
    %reduce_min3A_203 = arith.constant dense<2147483647> : vector<256xi32>
    %reduce_min3A_204 = vector.multi_reduction <minsi>, %select_n3A_202, %reduce_min3A_203 [1] : vector<256x4096xi32> to vector<256xi32>
    %broadcast_in_dim3A_205 = vector.shape_cast %reduce_min3A_204 : vector<256xi32> to vector<256x1xi32>
    %eq3A_206 = vector.broadcast %broadcast_in_dim3A_205 : vector<256x1xi32> to vector<256x4096xi32>
    %eq3A_207 = arith.cmpi eq, %iota3A, %eq3A_206 : vector<256x4096xi32>
    %jit3A_208 = arith.constant 0x7F800000 : f32
    %broadcast_in_dim3A_209 = vector.broadcast %jit3A_208 : f32 to vector<256x4096xf32>
    %select_n3A_210 = arith.select %eq3A_207, %broadcast_in_dim3A_209, %select_n3A_194 : vector<256x4096xi1>, vector<256x4096xf32>
    %reduce_min3A_211 = arith.constant dense<0x7F800000> : vector<256xf32>
    %reduce_min3A_212 = vector.multi_reduction <minimumf>, %select_n3A_210, %reduce_min3A_211 [1] : vector<256x4096xf32> to vector<256xf32>
    %broadcast_in_dim3A_213 = vector.shape_cast %reduce_min3A_212 : vector<256xf32> to vector<256x1xf32>
    %eq3A_214 = vector.broadcast %broadcast_in_dim3A_213 : vector<256x1xf32> to vector<256x4096xf32>
    %eq3A_215 = arith.cmpf oeq, %select_n3A_210, %eq3A_214 : vector<256x4096xf32>
    %jit3A_216 = arith.constant 4096 : i32
    %broadcast_in_dim3A_217 = vector.broadcast %jit3A_216 : i32 to vector<256x4096xi32>
    %select_n3A_218 = arith.select %eq3A_215, %iota3A, %broadcast_in_dim3A_217 : vector<256x4096xi1>, vector<256x4096xi32>
    %reduce_min3A_219 = arith.constant dense<2147483647> : vector<256xi32>
    %reduce_min3A_220 = vector.multi_reduction <minsi>, %select_n3A_218, %reduce_min3A_219 [1] : vector<256x4096xi32> to vector<256xi32>
    %broadcast_in_dim3A_221 = vector.shape_cast %reduce_min3A_220 : vector<256xi32> to vector<256x1xi32>
    %eq3A_222 = vector.broadcast %broadcast_in_dim3A_221 : vector<256x1xi32> to vector<256x4096xi32>
    %eq3A_223 = arith.cmpi eq, %iota3A, %eq3A_222 : vector<256x4096xi32>
    %jit3A_224 = arith.constant 0x7F800000 : f32
    %broadcast_in_dim3A_225 = vector.broadcast %jit3A_224 : f32 to vector<256x4096xf32>
    %select_n3A_226 = arith.select %eq3A_223, %broadcast_in_dim3A_225, %select_n3A_210 : vector<256x4096xi1>, vector<256x4096xf32>
    %reduce_min3A_227 = arith.constant dense<0x7F800000> : vector<256xf32>
    %reduce_min3A_228 = vector.multi_reduction <minimumf>, %select_n3A_226, %reduce_min3A_227 [1] : vector<256x4096xf32> to vector<256xf32>
    %broadcast_in_dim3A_229 = vector.shape_cast %reduce_min3A_228 : vector<256xf32> to vector<256x1xf32>
    %eq3A_230 = vector.broadcast %broadcast_in_dim3A_229 : vector<256x1xf32> to vector<256x4096xf32>
    %eq3A_231 = arith.cmpf oeq, %select_n3A_226, %eq3A_230 : vector<256x4096xf32>
    %jit3A_232 = arith.constant 4096 : i32
    %broadcast_in_dim3A_233 = vector.broadcast %jit3A_232 : i32 to vector<256x4096xi32>
    %select_n3A_234 = arith.select %eq3A_231, %iota3A, %broadcast_in_dim3A_233 : vector<256x4096xi1>, vector<256x4096xi32>
    %reduce_min3A_235 = arith.constant dense<2147483647> : vector<256xi32>
    %reduce_min3A_236 = vector.multi_reduction <minsi>, %select_n3A_234, %reduce_min3A_235 [1] : vector<256x4096xi32> to vector<256xi32>
    %broadcast_in_dim3A_237 = vector.shape_cast %reduce_min3A_236 : vector<256xi32> to vector<256x1xi32>
    %eq3A_238 = vector.broadcast %broadcast_in_dim3A_237 : vector<256x1xi32> to vector<256x4096xi32>
    %eq3A_239 = arith.cmpi eq, %iota3A, %eq3A_238 : vector<256x4096xi32>
    %jit3A_240 = arith.constant 0x7F800000 : f32
    %broadcast_in_dim3A_241 = vector.broadcast %jit3A_240 : f32 to vector<256x4096xf32>
    %select_n3A_242 = arith.select %eq3A_239, %broadcast_in_dim3A_241, %select_n3A_226 : vector<256x4096xi1>, vector<256x4096xf32>
    %reduce_min3A_243 = arith.constant dense<0x7F800000> : vector<256xf32>
    %reduce_min3A_244 = vector.multi_reduction <minimumf>, %select_n3A_242, %reduce_min3A_243 [1] : vector<256x4096xf32> to vector<256xf32>
    %broadcast_in_dim3A_245 = vector.shape_cast %reduce_min3A_244 : vector<256xf32> to vector<256x1xf32>
    %eq3A_246 = vector.broadcast %broadcast_in_dim3A_245 : vector<256x1xf32> to vector<256x4096xf32>
    %eq3A_247 = arith.cmpf oeq, %select_n3A_242, %eq3A_246 : vector<256x4096xf32>
    %jit3A_248 = arith.constant 4096 : i32
    %broadcast_in_dim3A_249 = vector.broadcast %jit3A_248 : i32 to vector<256x4096xi32>
    %select_n3A_250 = arith.select %eq3A_247, %iota3A, %broadcast_in_dim3A_249 : vector<256x4096xi1>, vector<256x4096xi32>
    %reduce_min3A_251 = arith.constant dense<2147483647> : vector<256xi32>
    %reduce_min3A_252 = vector.multi_reduction <minsi>, %select_n3A_250, %reduce_min3A_251 [1] : vector<256x4096xi32> to vector<256xi32>
    %broadcast_in_dim3A_253 = vector.shape_cast %reduce_min3A_252 : vector<256xi32> to vector<256x1xi32>
    %eq3A_254 = vector.broadcast %broadcast_in_dim3A_253 : vector<256x1xi32> to vector<256x4096xi32>
    %eq3A_255 = arith.cmpi eq, %iota3A, %eq3A_254 : vector<256x4096xi32>
    %jit3A_256 = arith.constant 0x7F800000 : f32
    %broadcast_in_dim3A_257 = vector.broadcast %jit3A_256 : f32 to vector<256x4096xf32>
    %select_n3A_258 = arith.select %eq3A_255, %broadcast_in_dim3A_257, %select_n3A_242 : vector<256x4096xi1>, vector<256x4096xf32>
    %reduce_min3A_259 = arith.constant dense<0x7F800000> : vector<256xf32>
    %reduce_min3A_260 = vector.multi_reduction <minimumf>, %select_n3A_258, %reduce_min3A_259 [1] : vector<256x4096xf32> to vector<256xf32>
    %broadcast_in_dim3A_261 = vector.shape_cast %reduce_min3A_260 : vector<256xf32> to vector<256x1xf32>
    %eq3A_262 = vector.broadcast %broadcast_in_dim3A_261 : vector<256x1xf32> to vector<256x4096xf32>
    %eq3A_263 = arith.cmpf oeq, %select_n3A_258, %eq3A_262 : vector<256x4096xf32>
    %jit3A_264 = arith.constant 4096 : i32
    %broadcast_in_dim3A_265 = vector.broadcast %jit3A_264 : i32 to vector<256x4096xi32>
    %select_n3A_266 = arith.select %eq3A_263, %iota3A, %broadcast_in_dim3A_265 : vector<256x4096xi1>, vector<256x4096xi32>
    %reduce_min3A_267 = arith.constant dense<2147483647> : vector<256xi32>
    %reduce_min3A_268 = vector.multi_reduction <minsi>, %select_n3A_266, %reduce_min3A_267 [1] : vector<256x4096xi32> to vector<256xi32>
    %broadcast_in_dim3A_269 = vector.shape_cast %reduce_min3A_268 : vector<256xi32> to vector<256x1xi32>
    %eq3A_270 = vector.broadcast %broadcast_in_dim3A_269 : vector<256x1xi32> to vector<256x4096xi32>
    %eq3A_271 = arith.cmpi eq, %iota3A, %eq3A_270 : vector<256x4096xi32>
    %jit3A_272 = arith.constant 0x7F800000 : f32
    %broadcast_in_dim3A_273 = vector.broadcast %jit3A_272 : f32 to vector<256x4096xf32>
    %select_n3A_274 = arith.select %eq3A_271, %broadcast_in_dim3A_273, %select_n3A_258 : vector<256x4096xi1>, vector<256x4096xf32>
    %reduce_min3A_275 = arith.constant dense<0x7F800000> : vector<256xf32>
    %reduce_min3A_276 = vector.multi_reduction <minimumf>, %select_n3A_274, %reduce_min3A_275 [1] : vector<256x4096xf32> to vector<256xf32>
    %broadcast_in_dim3A_277 = vector.shape_cast %reduce_min3A_276 : vector<256xf32> to vector<256x1xf32>
    %eq3A_278 = vector.broadcast %broadcast_in_dim3A_277 : vector<256x1xf32> to vector<256x4096xf32>
    %eq3A_279 = arith.cmpf oeq, %select_n3A_274, %eq3A_278 : vector<256x4096xf32>
    %jit3A_280 = arith.constant 4096 : i32
    %broadcast_in_dim3A_281 = vector.broadcast %jit3A_280 : i32 to vector<256x4096xi32>
    %select_n3A_282 = arith.select %eq3A_279, %iota3A, %broadcast_in_dim3A_281 : vector<256x4096xi1>, vector<256x4096xi32>
    %reduce_min3A_283 = arith.constant dense<2147483647> : vector<256xi32>
    %reduce_min3A_284 = vector.multi_reduction <minsi>, %select_n3A_282, %reduce_min3A_283 [1] : vector<256x4096xi32> to vector<256xi32>
    %broadcast_in_dim3A_285 = vector.shape_cast %reduce_min3A_284 : vector<256xi32> to vector<256x1xi32>
    %concatenate3A = tpu.concatenate %broadcast_in_dim3A_29, %broadcast_in_dim3A_45, %broadcast_in_dim3A_61, %broadcast_in_dim3A_77, %broadcast_in_dim3A_93, %broadcast_in_dim3A_109, %broadcast_in_dim3A_125, %broadcast_in_dim3A_141, %broadcast_in_dim3A_157, %broadcast_in_dim3A_173, %broadcast_in_dim3A_189, %broadcast_in_dim3A_205, %broadcast_in_dim3A_221, %broadcast_in_dim3A_237, %broadcast_in_dim3A_253, %broadcast_in_dim3A_269, %broadcast_in_dim3A_285 in 1 : vector<256x1xi32>, vector<256x1xi32>, vector<256x1xi32>, vector<256x1xi32>, vector<256x1xi32>, vector<256x1xi32>, vector<256x1xi32>, vector<256x1xi32>, vector<256x1xi32>, vector<256x1xi32>, vector<256x1xi32>, vector<256x1xi32>, vector<256x1xi32>, vector<256x1xi32>, vector<256x1xi32>, vector<256x1xi32>, vector<256x1xi32> -> vector<256x17xi32>
    %mul3A_286 = arith.constant 4096 : i32
    %mul3A_287 = arith.muli %arg0, %mul3A_286 : i32
    %add3A_288 = vector.broadcast %mul3A_287 : i32 to vector<256x17xi32>
    %add3A_289 = arith.addi %concatenate3A, %add3A_288 : vector<256x17xi32>
    %swap3A = arith.constant 0 : index
    %swap3A_290 = arith.constant 0 : index
    %swap3A_291 = arith.constant 0 : index
    %swap3A_292 = vector.load %arg4[%swap3A, %swap3A_290, %swap3A_291] : memref<1x256x17xi32, #tpu.memory_space<vmem>>, vector<1x256x17xi32>
    %swap3A_293 = vector.shape_cast %swap3A_292 : vector<1x256x17xi32> to vector<256x17xi32>
    %swap3A_294 = vector.shape_cast %add3A_289 : vector<256x17xi32> to vector<1x256x17xi32>
    tpu.vector_store %arg4[%swap3A, %swap3A_290, %swap3A_291], %swap3A_294 {strides = array<i32>} : memref<1x256x17xi32, #tpu.memory_space<vmem>>, vector<1x256x17xi32>,
    %concatenate3A_295 = tpu.concatenate %broadcast_in_dim3A_24, %broadcast_in_dim3A_37, %broadcast_in_dim3A_53, %broadcast_in_dim3A_69, %broadcast_in_dim3A_85, %broadcast_in_dim3A_101, %broadcast_in_dim3A_117, %broadcast_in_dim3A_133, %broadcast_in_dim3A_149, %broadcast_in_dim3A_165, %broadcast_in_dim3A_181, %broadcast_in_dim3A_197, %broadcast_in_dim3A_213, %broadcast_in_dim3A_229, %broadcast_in_dim3A_245, %broadcast_in_dim3A_261, %broadcast_in_dim3A_277 in 1 : vector<256x1xf32>, vector<256x1xf32>, vector<256x1xf32>, vector<256x1xf32>, vector<256x1xf32>, vector<256x1xf32>, vector<256x1xf32>, vector<256x1xf32>, vector<256x1xf32>, vector<256x1xf32>, vector<256x1xf32>, vector<256x1xf32>, vector<256x1xf32>, vector<256x1xf32>, vector<256x1xf32>, vector<256x1xf32>, vector<256x1xf32> -> vector<256x17xf32>
    %sqrt3A = math.sqrt %concatenate3A_295 : vector<256x17xf32>
    %swap3A_296 = arith.constant 0 : index
    %swap3A_297 = arith.constant 0 : index
    %swap3A_298 = arith.constant 0 : index
    %swap3A_299 = vector.load %arg5[%swap3A_296, %swap3A_297, %swap3A_298] : memref<1x256x17xf32, #tpu.memory_space<vmem>>, vector<1x256x17xf32>
    %swap3A_300 = vector.shape_cast %swap3A_299 : vector<1x256x17xf32> to vector<256x17xf32>
    %swap3A_301 = vector.shape_cast %sqrt3A : vector<256x17xf32> to vector<1x256x17xf32>
    tpu.vector_store %arg5[%swap3A_296, %swap3A_297, %swap3A_298], %swap3A_301 {strides = array<i32>} : memref<1x256x17xf32, #tpu.memory_space<vmem>>, vector<1x256x17xf32>,
    return
  }
  func.func @transform_0(%arg0: i32, %arg1: i32) -> (i32, i32, i32) {
    %c0_i32 = arith.constant 0 : i32
    %c0_i32_0 = arith.constant 0 : i32
    return %arg0, %arg1, %c0_i32 : i32, i32, i32
  }
  func.func @transform_1(%arg0: i32, %arg1: i32) -> (i32, i32, i32) {
    %c0_i32 = arith.constant 0 : i32
    %c0_i32_0 = arith.constant 0 : i32
    %c0_i32_1 = arith.constant 0 : i32
    return %arg0, %c0_i32, %c0_i32_0 : i32, i32, i32
  }
  func.func @transform_2(%arg0: i32, %arg1: i32) -> (i32, i32, i32) {
    %c0_i32 = arith.constant 0 : i32
    %c0_i32_0 = arith.constant 0 : i32
    return %arg0, %arg1, %c0_i32 : i32, i32, i32
  }
  func.func @transform_3(%arg0: i32, %arg1: i32) -> (i32, i32, i32) {
    %c0_i32 = arith.constant 0 : i32
    %c0_i32_0 = arith.constant 0 : i32
    return %arg0, %arg1, %c0_i32 : i32, i32, i32
  }
}

module attributes {stable_mosaic.version = 14 : i64} {
  func.func @_stats1_kernel(%arg0: i32, %arg1: memref<16384x128xf32, #tpu.memory_space<vmem>>, %arg2: memref<1024x128xf32, #tpu.memory_space<vmem>>, %arg3: memref<1024x16xf32, #tpu.memory_space<vmem>>, %arg4: memref<1x128xf32, #tpu.memory_space<vmem>>, %arg5: memref<2x128xf32, #tpu.memory_space<vmem>>) attributes {dimension_semantics = [#tpu.dimension_semantics<arbitrary>], iteration_bounds = array<i64: 16>, scalar_prefetch = 0 : i64, scratch_operands = 0 : i64, tpu.core_type = #tpu.core_type<tc>, window_params = [{transform_indices = @transform_0, window_bounds = array<i64: 16384, 128>}, {transform_indices = @transform_1, window_bounds = array<i64: 1024, 128>}, {transform_indices = @transform_2, window_bounds = array<i64: 1024, 16>}, {pipeline_mode = #tpu.pipeline_mode<synchronous>, transform_indices = @transform_3, window_bounds = array<i64: 1, 128>}, {pipeline_mode = #tpu.pipeline_mode<synchronous>, transform_indices = @transform_4, window_bounds = array<i64: 2, 128>}]} {
    %eq3A = arith.constant 0 : i32
    %eq3A_0 = arith.cmpi eq, %arg0, %eq3A : i32
    %convert_element_type3A = arith.extui %eq3A_0 : i1 to i32
    %cond3A = arith.constant 0 : i32
    %cond3A_1 = arith.cmpi ne, %convert_element_type3A, %cond3A : i32
    scf.if %cond3A_1 {
      %broadcast_in_dim3A_31 = arith.constant 0.000000e+00 : f32
      %broadcast_in_dim3A_32 = vector.broadcast %broadcast_in_dim3A_31 : f32 to vector<2x128xf32>
      %swap3A_33 = arith.constant 0 : index
      %swap3A_34 = arith.constant 0 : index
      %swap3A_35 = vector.load %arg5[%swap3A_33, %swap3A_34] : memref<2x128xf32, #tpu.memory_space<vmem>>, vector<2x128xf32>
      tpu.vector_store %arg5[%swap3A_33, %swap3A_34], %broadcast_in_dim3A_32 {strides = array<i32>} : memref<2x128xf32, #tpu.memory_space<vmem>>, vector<2x128xf32>,
    } else {
    }
    %get3A = arith.constant 0 : index
    %get3A_2 = arith.constant 0 : index
    %get3A_3 = vector.load %arg1[%get3A, %get3A_2] : memref<16384x128xf32, #tpu.memory_space<vmem>>, vector<16384x128xf32>
    %reshape3A = vector.shape_cast %get3A_3 : vector<16384x128xf32> to vector<1024x16x128xf32>
    %get3A_4 = arith.constant 0 : index
    %get3A_5 = arith.constant 0 : index
    %get3A_6 = vector.load %arg3[%get3A_4, %get3A_5] : memref<1024x16xf32, #tpu.memory_space<vmem>>, vector<1024x16xf32>
    %get3A_7 = arith.constant 0 : index
    %get3A_8 = arith.constant 0 : index
    %get3A_9 = vector.load %arg2[%get3A_7, %get3A_8] : memref<1024x128xf32, #tpu.memory_space<vmem>>, vector<1024x128xf32>
    %get3A_10 = arith.constant 0 : index
    %get3A_11 = arith.constant 0 : index
    %get3A_12 = vector.load %arg4[%get3A_10, %get3A_11] : memref<1x128xf32, #tpu.memory_space<vmem>>, vector<1x128xf32>
    %broadcast_in_dim3A = vector.shape_cast %get3A_9 : vector<1024x128xf32> to vector<1024x1x128xf32>
    %add3A = vector.broadcast %broadcast_in_dim3A : vector<1024x1x128xf32> to vector<1024x16x128xf32>
    %add3A_13 = arith.addf %reshape3A, %add3A : vector<1024x16x128xf32>
    %broadcast_in_dim3A_14 = vector.shape_cast %get3A_6 : vector<1024x16xf32> to vector<1024x16x1xf32>
    %broadcast_in_dim3A_15 = vector.shape_cast %get3A_12 : vector<1x128xf32> to vector<1x1x128xf32>
    %mul3A = vector.broadcast %broadcast_in_dim3A_14 : vector<1024x16x1xf32> to vector<1024x16x128xf32>
    %mul3A_16 = vector.broadcast %broadcast_in_dim3A_15 : vector<1x1x128xf32> to vector<1024x16x128xf32>
    %mul3A_17 = arith.mulf %mul3A, %mul3A_16 : vector<1024x16x128xf32>
    %add3A_18 = arith.addf %add3A_13, %mul3A_17 : vector<1024x16x128xf32>
    %get3A_19 = arith.constant 0 : index
    %get3A_20 = arith.constant 0 : index
    %get3A_21 = vector.load %arg5[%get3A_19, %get3A_20] : memref<2x128xf32, #tpu.memory_space<vmem>>, vector<2x128xf32>
    %reduce_sum3A = arith.constant dense<0.000000e+00> : vector<128xf32>
    %reduce_sum3A_22 = vector.multi_reduction <add>, %add3A_18, %reduce_sum3A [0, 1] : vector<1024x16x128xf32> to vector<128xf32>
    %mul3A_23 = arith.mulf %add3A_18, %add3A_18 : vector<1024x16x128xf32>
    %reduce_sum3A_24 = arith.constant dense<0.000000e+00> : vector<128xf32>
    %reduce_sum3A_25 = vector.multi_reduction <add>, %mul3A_23, %reduce_sum3A_24 [0, 1] : vector<1024x16x128xf32> to vector<128xf32>
    %stack3A = vector.shape_cast %reduce_sum3A_22 : vector<128xf32> to vector<1x128xf32>
    %stack3A_26 = vector.shape_cast %reduce_sum3A_25 : vector<128xf32> to vector<1x128xf32>
    %stack3A_27 = tpu.concatenate %stack3A, %stack3A_26 in 0 : vector<1x128xf32>, vector<1x128xf32> -> vector<2x128xf32>
    %add3A_28 = arith.addf %get3A_21, %stack3A_27 : vector<2x128xf32>
    %swap3A = arith.constant 0 : index
    %swap3A_29 = arith.constant 0 : index
    %swap3A_30 = vector.load %arg5[%swap3A, %swap3A_29] : memref<2x128xf32, #tpu.memory_space<vmem>>, vector<2x128xf32>
    tpu.vector_store %arg5[%swap3A, %swap3A_29], %add3A_28 {strides = array<i32>} : memref<2x128xf32, #tpu.memory_space<vmem>>, vector<2x128xf32>,
    return
  }
  func.func @transform_0(%arg0: i32) -> (i32, i32) {
    %c0_i32 = arith.constant 0 : i32
    %c0_i32_0 = arith.constant 0 : i32
    return %arg0, %c0_i32 : i32, i32
  }
  func.func @transform_1(%arg0: i32) -> (i32, i32) {
    %c0_i32 = arith.constant 0 : i32
    %c0_i32_0 = arith.constant 0 : i32
    return %arg0, %c0_i32 : i32, i32
  }
  func.func @transform_2(%arg0: i32) -> (i32, i32) {
    %c0_i32 = arith.constant 0 : i32
    %c0_i32_0 = arith.constant 0 : i32
    return %arg0, %c0_i32 : i32, i32
  }
  func.func @transform_3(%arg0: i32) -> (i32, i32) {
    %c0_i32 = arith.constant 0 : i32
    %c0_i32_0 = arith.constant 0 : i32
    %c0_i32_1 = arith.constant 0 : i32
    return %c0_i32, %c0_i32_0 : i32, i32
  }
  func.func @transform_4(%arg0: i32) -> (i32, i32) {
    %c0_i32 = arith.constant 0 : i32
    %c0_i32_0 = arith.constant 0 : i32
    %c0_i32_1 = arith.constant 0 : i32
    return %c0_i32, %c0_i32_0 : i32, i32
  }
}

module attributes {stable_mosaic.version = 14 : i64} {
  func.func @_stats2_kernel(%arg0: i32, %arg1: memref<16384x128xf32, #tpu.memory_space<vmem>>, %arg2: memref<1024x128xf32, #tpu.memory_space<vmem>>, %arg3: memref<1024x16xf32, #tpu.memory_space<vmem>>, %arg4: memref<1x128xf32, #tpu.memory_space<vmem>>, %arg5: memref<1x128xf32, #tpu.memory_space<vmem>>, %arg6: memref<1x128xf32, #tpu.memory_space<vmem>>, %arg7: memref<128x128xf32, #tpu.memory_space<vmem>>, %arg8: memref<2x128xf32, #tpu.memory_space<vmem>>) attributes {dimension_semantics = [#tpu.dimension_semantics<arbitrary>], iteration_bounds = array<i64: 16>, scalar_prefetch = 0 : i64, scratch_operands = 0 : i64, tpu.core_type = #tpu.core_type<tc>, window_params = [{transform_indices = @transform_0, window_bounds = array<i64: 16384, 128>}, {transform_indices = @transform_1, window_bounds = array<i64: 1024, 128>}, {transform_indices = @transform_2, window_bounds = array<i64: 1024, 16>}, {pipeline_mode = #tpu.pipeline_mode<synchronous>, transform_indices = @transform_3, window_bounds = array<i64: 1, 128>}, {pipeline_mode = #tpu.pipeline_mode<synchronous>, transform_indices = @transform_4, window_bounds = array<i64: 1, 128>}, {pipeline_mode = #tpu.pipeline_mode<synchronous>, transform_indices = @transform_5, window_bounds = array<i64: 1, 128>}, {pipeline_mode = #tpu.pipeline_mode<synchronous>, transform_indices = @transform_6, window_bounds = array<i64: 128, 128>}, {pipeline_mode = #tpu.pipeline_mode<synchronous>, transform_indices = @transform_7, window_bounds = array<i64: 2, 128>}]} {
    %eq3A = arith.constant 0 : i32
    %eq3A_0 = arith.cmpi eq, %arg0, %eq3A : i32
    %convert_element_type3A = arith.extui %eq3A_0 : i1 to i32
    %cond3A = arith.constant 0 : i32
    %cond3A_1 = arith.cmpi ne, %convert_element_type3A, %cond3A : i32
    scf.if %cond3A_1 {
      %broadcast_in_dim3A_55 = arith.constant 0.000000e+00 : f32
      %broadcast_in_dim3A_56 = vector.broadcast %broadcast_in_dim3A_55 : f32 to vector<2x128xf32>
      %swap3A_57 = arith.constant 0 : index
      %swap3A_58 = arith.constant 0 : index
      %swap3A_59 = vector.load %arg8[%swap3A_57, %swap3A_58] : memref<2x128xf32, #tpu.memory_space<vmem>>, vector<2x128xf32>
      tpu.vector_store %arg8[%swap3A_57, %swap3A_58], %broadcast_in_dim3A_56 {strides = array<i32>} : memref<2x128xf32, #tpu.memory_space<vmem>>, vector<2x128xf32>,
    } else {
    }
    %get3A = arith.constant 0 : index
    %get3A_2 = arith.constant 0 : index
    %get3A_3 = vector.load %arg1[%get3A, %get3A_2] : memref<16384x128xf32, #tpu.memory_space<vmem>>, vector<16384x128xf32>
    %reshape3A = vector.shape_cast %get3A_3 : vector<16384x128xf32> to vector<1024x16x128xf32>
    %get3A_4 = arith.constant 0 : index
    %get3A_5 = arith.constant 0 : index
    %get3A_6 = vector.load %arg3[%get3A_4, %get3A_5] : memref<1024x16xf32, #tpu.memory_space<vmem>>, vector<1024x16xf32>
    %get3A_7 = arith.constant 0 : index
    %get3A_8 = arith.constant 0 : index
    %get3A_9 = vector.load %arg2[%get3A_7, %get3A_8] : memref<1024x128xf32, #tpu.memory_space<vmem>>, vector<1024x128xf32>
    %get3A_10 = arith.constant 0 : index
    %get3A_11 = arith.constant 0 : index
    %get3A_12 = vector.load %arg4[%get3A_10, %get3A_11] : memref<1x128xf32, #tpu.memory_space<vmem>>, vector<1x128xf32>
    %broadcast_in_dim3A = vector.shape_cast %get3A_9 : vector<1024x128xf32> to vector<1024x1x128xf32>
    %add3A = vector.broadcast %broadcast_in_dim3A : vector<1024x1x128xf32> to vector<1024x16x128xf32>
    %add3A_13 = arith.addf %reshape3A, %add3A : vector<1024x16x128xf32>
    %broadcast_in_dim3A_14 = vector.shape_cast %get3A_6 : vector<1024x16xf32> to vector<1024x16x1xf32>
    %broadcast_in_dim3A_15 = vector.shape_cast %get3A_12 : vector<1x128xf32> to vector<1x1x128xf32>
    %mul3A = vector.broadcast %broadcast_in_dim3A_14 : vector<1024x16x1xf32> to vector<1024x16x128xf32>
    %mul3A_16 = vector.broadcast %broadcast_in_dim3A_15 : vector<1x1x128xf32> to vector<1024x16x128xf32>
    %mul3A_17 = arith.mulf %mul3A, %mul3A_16 : vector<1024x16x128xf32>
    %add3A_18 = arith.addf %add3A_13, %mul3A_17 : vector<1024x16x128xf32>
    %get3A_19 = arith.constant 0 : index
    %get3A_20 = arith.constant 0 : index
    %get3A_21 = vector.load %arg5[%get3A_19, %get3A_20] : memref<1x128xf32, #tpu.memory_space<vmem>>, vector<1x128xf32>
    %broadcast_in_dim3A_22 = vector.shape_cast %get3A_21 : vector<1x128xf32> to vector<1x1x128xf32>
    %mul3A_23 = vector.broadcast %broadcast_in_dim3A_22 : vector<1x1x128xf32> to vector<1024x16x128xf32>
    %mul3A_24 = arith.mulf %add3A_18, %mul3A_23 : vector<1024x16x128xf32>
    %get3A_25 = arith.constant 0 : index
    %get3A_26 = arith.constant 0 : index
    %get3A_27 = vector.load %arg6[%get3A_25, %get3A_26] : memref<1x128xf32, #tpu.memory_space<vmem>>, vector<1x128xf32>
    %broadcast_in_dim3A_28 = vector.shape_cast %get3A_27 : vector<1x128xf32> to vector<1x1x128xf32>
    %add3A_29 = vector.broadcast %broadcast_in_dim3A_28 : vector<1x1x128xf32> to vector<1024x16x128xf32>
    %add3A_30 = arith.addf %mul3A_24, %add3A_29 : vector<1024x16x128xf32>
    %ge3A = arith.constant 0.000000e+00 : f32
    %ge3A_31 = vector.broadcast %ge3A : f32 to vector<1024x16x128xf32>
    %ge3A_32 = arith.cmpf oge, %add3A_30, %ge3A_31 : vector<1024x16x128xf32>
    %mul3A_33 = arith.constant 2.000000e-01 : f32
    %mul3A_34 = vector.broadcast %mul3A_33 : f32 to vector<1024x16x128xf32>
    %mul3A_35 = arith.mulf %mul3A_34, %add3A_30 : vector<1024x16x128xf32>
    %select_n3A = arith.select %ge3A_32, %add3A_30, %mul3A_35 : vector<1024x16x128xi1>, vector<1024x16x128xf32>
    %reshape3A_36 = vector.shape_cast %select_n3A : vector<1024x16x128xf32> to vector<16384x128xf32>
    %convert_element_type3A_37 = arith.truncf %reshape3A_36 : vector<16384x128xf32> to vector<16384x128xbf16>
    %get3A_38 = arith.constant 0 : index
    %get3A_39 = arith.constant 0 : index
    %get3A_40 = vector.load %arg7[%get3A_38, %get3A_39] : memref<128x128xf32, #tpu.memory_space<vmem>>, vector<128x128xf32>
    %convert_element_type3A_41 = arith.truncf %get3A_40 : vector<128x128xf32> to vector<128x128xbf16>
    %dot_general3A = arith.constant dense<0.000000e+00> : vector<16384x128xf32>
    %dot_general3A_42 = tpu.matmul %convert_element_type3A_37, %convert_element_type3A_41, %dot_general3A {dimension_numbers = #tpu.dot_dimension_numbers<[1], [0], [0], [1], [0, 0, 1, 1], [], []>, transpose_lhs_hint = false} : vector<16384x128xbf16>, vector<128x128xbf16>, vector<16384x128xf32> -> vector<16384x128xf32>
    %get3A_43 = arith.constant 0 : index
    %get3A_44 = arith.constant 0 : index
    %get3A_45 = vector.load %arg8[%get3A_43, %get3A_44] : memref<2x128xf32, #tpu.memory_space<vmem>>, vector<2x128xf32>
    %reduce_sum3A = arith.constant dense<0.000000e+00> : vector<128xf32>
    %reduce_sum3A_46 = vector.multi_reduction <add>, %dot_general3A_42, %reduce_sum3A [0] : vector<16384x128xf32> to vector<128xf32>
    %mul3A_47 = arith.mulf %dot_general3A_42, %dot_general3A_42 : vector<16384x128xf32>
    %reduce_sum3A_48 = arith.constant dense<0.000000e+00> : vector<128xf32>
    %reduce_sum3A_49 = vector.multi_reduction <add>, %mul3A_47, %reduce_sum3A_48 [0] : vector<16384x128xf32> to vector<128xf32>
    %stack3A = vector.shape_cast %reduce_sum3A_46 : vector<128xf32> to vector<1x128xf32>
    %stack3A_50 = vector.shape_cast %reduce_sum3A_49 : vector<128xf32> to vector<1x128xf32>
    %stack3A_51 = tpu.concatenate %stack3A, %stack3A_50 in 0 : vector<1x128xf32>, vector<1x128xf32> -> vector<2x128xf32>
    %add3A_52 = arith.addf %get3A_45, %stack3A_51 : vector<2x128xf32>
    %swap3A = arith.constant 0 : index
    %swap3A_53 = arith.constant 0 : index
    %swap3A_54 = vector.load %arg8[%swap3A, %swap3A_53] : memref<2x128xf32, #tpu.memory_space<vmem>>, vector<2x128xf32>
    tpu.vector_store %arg8[%swap3A, %swap3A_53], %add3A_52 {strides = array<i32>} : memref<2x128xf32, #tpu.memory_space<vmem>>, vector<2x128xf32>,
    return
  }
  func.func @transform_0(%arg0: i32) -> (i32, i32) {
    %c0_i32 = arith.constant 0 : i32
    %c0_i32_0 = arith.constant 0 : i32
    return %arg0, %c0_i32 : i32, i32
  }
  func.func @transform_1(%arg0: i32) -> (i32, i32) {
    %c0_i32 = arith.constant 0 : i32
    %c0_i32_0 = arith.constant 0 : i32
    return %arg0, %c0_i32 : i32, i32
  }
  func.func @transform_2(%arg0: i32) -> (i32, i32) {
    %c0_i32 = arith.constant 0 : i32
    %c0_i32_0 = arith.constant 0 : i32
    return %arg0, %c0_i32 : i32, i32
  }
  func.func @transform_3(%arg0: i32) -> (i32, i32) {
    %c0_i32 = arith.constant 0 : i32
    %c0_i32_0 = arith.constant 0 : i32
    %c0_i32_1 = arith.constant 0 : i32
    return %c0_i32, %c0_i32_0 : i32, i32
  }
  func.func @transform_4(%arg0: i32) -> (i32, i32) {
    %c0_i32 = arith.constant 0 : i32
    %c0_i32_0 = arith.constant 0 : i32
    %c0_i32_1 = arith.constant 0 : i32
    return %c0_i32, %c0_i32_0 : i32, i32
  }
  func.func @transform_5(%arg0: i32) -> (i32, i32) {
    %c0_i32 = arith.constant 0 : i32
    %c0_i32_0 = arith.constant 0 : i32
    %c0_i32_1 = arith.constant 0 : i32
    return %c0_i32, %c0_i32_0 : i32, i32
  }
  func.func @transform_6(%arg0: i32) -> (i32, i32) {
    %c0_i32 = arith.constant 0 : i32
    %c0_i32_0 = arith.constant 0 : i32
    %c0_i32_1 = arith.constant 0 : i32
    return %c0_i32, %c0_i32_0 : i32, i32
  }
  func.func @transform_7(%arg0: i32) -> (i32, i32) {
    %c0_i32 = arith.constant 0 : i32
    %c0_i32_0 = arith.constant 0 : i32
    %c0_i32_1 = arith.constant 0 : i32
    return %c0_i32, %c0_i32_0 : i32, i32
  }
}

module attributes {stable_mosaic.version = 14 : i64} {
  func.func @_final_kernel(%arg0: i32, %arg1: memref<16384x128xf32, #tpu.memory_space<vmem>>, %arg2: memref<1024x128xf32, #tpu.memory_space<vmem>>, %arg3: memref<1024x16xf32, #tpu.memory_space<vmem>>, %arg4: memref<1x128xf32, #tpu.memory_space<vmem>>, %arg5: memref<1x128xf32, #tpu.memory_space<vmem>>, %arg6: memref<1x128xf32, #tpu.memory_space<vmem>>, %arg7: memref<128x128xf32, #tpu.memory_space<vmem>>, %arg8: memref<1x128xf32, #tpu.memory_space<vmem>>, %arg9: memref<1x128xf32, #tpu.memory_space<vmem>>, %arg10: memref<1024x128xf32, #tpu.memory_space<vmem>>, %arg11: memref<1x128xf32, #tpu.memory_space<vmem>>, %arg12: memref<1x128xf32, #tpu.memory_space<vmem>>, %arg13: memref<1024x128xf32, #tpu.memory_space<vmem>>) attributes {dimension_semantics = [#tpu.dimension_semantics<arbitrary>], iteration_bounds = array<i64: 16>, scalar_prefetch = 0 : i64, scratch_operands = 0 : i64, tpu.core_type = #tpu.core_type<tc>, window_params = [{transform_indices = @transform_0, window_bounds = array<i64: 16384, 128>}, {transform_indices = @transform_1, window_bounds = array<i64: 1024, 128>}, {transform_indices = @transform_2, window_bounds = array<i64: 1024, 16>}, {pipeline_mode = #tpu.pipeline_mode<synchronous>, transform_indices = @transform_3, window_bounds = array<i64: 1, 128>}, {pipeline_mode = #tpu.pipeline_mode<synchronous>, transform_indices = @transform_4, window_bounds = array<i64: 1, 128>}, {pipeline_mode = #tpu.pipeline_mode<synchronous>, transform_indices = @transform_5, window_bounds = array<i64: 1, 128>}, {pipeline_mode = #tpu.pipeline_mode<synchronous>, transform_indices = @transform_6, window_bounds = array<i64: 128, 128>}, {pipeline_mode = #tpu.pipeline_mode<synchronous>, transform_indices = @transform_7, window_bounds = array<i64: 1, 128>}, {pipeline_mode = #tpu.pipeline_mode<synchronous>, transform_indices = @transform_8, window_bounds = array<i64: 1, 128>}, {transform_indices = @transform_9, window_bounds = array<i64: 1024, 128>}, {pipeline_mode = #tpu.pipeline_mode<synchronous>, transform_indices = @transform_10, window_bounds = array<i64: 1, 128>}, {pipeline_mode = #tpu.pipeline_mode<synchronous>, transform_indices = @transform_11, window_bounds = array<i64: 1, 128>}, {transform_indices = @transform_12, window_bounds = array<i64: 1024, 128>}]} {
    %get3A = arith.constant 0 : index
    %get3A_0 = arith.constant 0 : index
    %get3A_1 = vector.load %arg1[%get3A, %get3A_0] : memref<16384x128xf32, #tpu.memory_space<vmem>>, vector<16384x128xf32>
    %reshape3A = vector.shape_cast %get3A_1 : vector<16384x128xf32> to vector<1024x16x128xf32>
    %get3A_2 = arith.constant 0 : index
    %get3A_3 = arith.constant 0 : index
    %get3A_4 = vector.load %arg3[%get3A_2, %get3A_3] : memref<1024x16xf32, #tpu.memory_space<vmem>>, vector<1024x16xf32>
    %get3A_5 = arith.constant 0 : index
    %get3A_6 = arith.constant 0 : index
    %get3A_7 = vector.load %arg2[%get3A_5, %get3A_6] : memref<1024x128xf32, #tpu.memory_space<vmem>>, vector<1024x128xf32>
    %get3A_8 = arith.constant 0 : index
    %get3A_9 = arith.constant 0 : index
    %get3A_10 = vector.load %arg4[%get3A_8, %get3A_9] : memref<1x128xf32, #tpu.memory_space<vmem>>, vector<1x128xf32>
    %broadcast_in_dim3A = vector.shape_cast %get3A_7 : vector<1024x128xf32> to vector<1024x1x128xf32>
    %add3A = vector.broadcast %broadcast_in_dim3A : vector<1024x1x128xf32> to vector<1024x16x128xf32>
    %add3A_11 = arith.addf %reshape3A, %add3A : vector<1024x16x128xf32>
    %broadcast_in_dim3A_12 = vector.shape_cast %get3A_4 : vector<1024x16xf32> to vector<1024x16x1xf32>
    %broadcast_in_dim3A_13 = vector.shape_cast %get3A_10 : vector<1x128xf32> to vector<1x1x128xf32>
    %mul3A = vector.broadcast %broadcast_in_dim3A_12 : vector<1024x16x1xf32> to vector<1024x16x128xf32>
    %mul3A_14 = vector.broadcast %broadcast_in_dim3A_13 : vector<1x1x128xf32> to vector<1024x16x128xf32>
    %mul3A_15 = arith.mulf %mul3A, %mul3A_14 : vector<1024x16x128xf32>
    %add3A_16 = arith.addf %add3A_11, %mul3A_15 : vector<1024x16x128xf32>
    %get3A_17 = arith.constant 0 : index
    %get3A_18 = arith.constant 0 : index
    %get3A_19 = vector.load %arg5[%get3A_17, %get3A_18] : memref<1x128xf32, #tpu.memory_space<vmem>>, vector<1x128xf32>
    %broadcast_in_dim3A_20 = vector.shape_cast %get3A_19 : vector<1x128xf32> to vector<1x1x128xf32>
    %mul3A_21 = vector.broadcast %broadcast_in_dim3A_20 : vector<1x1x128xf32> to vector<1024x16x128xf32>
    %mul3A_22 = arith.mulf %add3A_16, %mul3A_21 : vector<1024x16x128xf32>
    %get3A_23 = arith.constant 0 : index
    %get3A_24 = arith.constant 0 : index
    %get3A_25 = vector.load %arg6[%get3A_23, %get3A_24] : memref<1x128xf32, #tpu.memory_space<vmem>>, vector<1x128xf32>
    %broadcast_in_dim3A_26 = vector.shape_cast %get3A_25 : vector<1x128xf32> to vector<1x1x128xf32>
    %add3A_27 = vector.broadcast %broadcast_in_dim3A_26 : vector<1x1x128xf32> to vector<1024x16x128xf32>
    %add3A_28 = arith.addf %mul3A_22, %add3A_27 : vector<1024x16x128xf32>
    %ge3A = arith.constant 0.000000e+00 : f32
    %ge3A_29 = vector.broadcast %ge3A : f32 to vector<1024x16x128xf32>
    %ge3A_30 = arith.cmpf oge, %add3A_28, %ge3A_29 : vector<1024x16x128xf32>
    %mul3A_31 = arith.constant 2.000000e-01 : f32
    %mul3A_32 = vector.broadcast %mul3A_31 : f32 to vector<1024x16x128xf32>
    %mul3A_33 = arith.mulf %mul3A_32, %add3A_28 : vector<1024x16x128xf32>
    %select_n3A = arith.select %ge3A_30, %add3A_28, %mul3A_33 : vector<1024x16x128xi1>, vector<1024x16x128xf32>
    %reshape3A_34 = vector.shape_cast %select_n3A : vector<1024x16x128xf32> to vector<16384x128xf32>
    %convert_element_type3A = arith.truncf %reshape3A_34 : vector<16384x128xf32> to vector<16384x128xbf16>
    %get3A_35 = arith.constant 0 : index
    %get3A_36 = arith.constant 0 : index
    %get3A_37 = vector.load %arg7[%get3A_35, %get3A_36] : memref<128x128xf32, #tpu.memory_space<vmem>>, vector<128x128xf32>
    %convert_element_type3A_38 = arith.truncf %get3A_37 : vector<128x128xf32> to vector<128x128xbf16>
    %dot_general3A = arith.constant dense<0.000000e+00> : vector<16384x128xf32>
    %dot_general3A_39 = tpu.matmul %convert_element_type3A, %convert_element_type3A_38, %dot_general3A {dimension_numbers = #tpu.dot_dimension_numbers<[1], [0], [0], [1], [0, 0, 1, 1], [], []>, transpose_lhs_hint = false} : vector<16384x128xbf16>, vector<128x128xbf16>, vector<16384x128xf32> -> vector<16384x128xf32>
    %get3A_40 = arith.constant 0 : index
    %get3A_41 = arith.constant 0 : index
    %get3A_42 = vector.load %arg8[%get3A_40, %get3A_41] : memref<1x128xf32, #tpu.memory_space<vmem>>, vector<1x128xf32>
    %mul3A_43 = vector.broadcast %get3A_42 : vector<1x128xf32> to vector<16384x128xf32>
    %mul3A_44 = arith.mulf %dot_general3A_39, %mul3A_43 : vector<16384x128xf32>
    %get3A_45 = arith.constant 0 : index
    %get3A_46 = arith.constant 0 : index
    %get3A_47 = vector.load %arg9[%get3A_45, %get3A_46] : memref<1x128xf32, #tpu.memory_space<vmem>>, vector<1x128xf32>
    %add3A_48 = vector.broadcast %get3A_47 : vector<1x128xf32> to vector<16384x128xf32>
    %add3A_49 = arith.addf %mul3A_44, %add3A_48 : vector<16384x128xf32>
    %ge3A_50 = arith.constant 0.000000e+00 : f32
    %ge3A_51 = vector.broadcast %ge3A_50 : f32 to vector<16384x128xf32>
    %ge3A_52 = arith.cmpf oge, %add3A_49, %ge3A_51 : vector<16384x128xf32>
    %mul3A_53 = arith.constant 2.000000e-01 : f32
    %mul3A_54 = vector.broadcast %mul3A_53 : f32 to vector<16384x128xf32>
    %mul3A_55 = arith.mulf %mul3A_54, %add3A_49 : vector<16384x128xf32>
    %select_n3A_56 = arith.select %ge3A_52, %add3A_49, %mul3A_55 : vector<16384x128xi1>, vector<16384x128xf32>
    %reshape3A_57 = vector.shape_cast %select_n3A_56 : vector<16384x128xf32> to vector<1024x16x128xf32>
    %reduce_max3A = arith.constant dense<0xFF800000> : vector<1024x128xf32>
    %reduce_max3A_58 = vector.multi_reduction <maximumf>, %reshape3A_57, %reduce_max3A [1] : vector<1024x16x128xf32> to vector<1024x128xf32>
    %get3A_59 = arith.constant 0 : index
    %get3A_60 = arith.constant 0 : index
    %get3A_61 = vector.load %arg10[%get3A_59, %get3A_60] : memref<1024x128xf32, #tpu.memory_space<vmem>>, vector<1024x128xf32>
    %get3A_62 = arith.constant 0 : index
    %get3A_63 = arith.constant 0 : index
    %get3A_64 = vector.load %arg11[%get3A_62, %get3A_63] : memref<1x128xf32, #tpu.memory_space<vmem>>, vector<1x128xf32>
    %mul3A_65 = vector.broadcast %get3A_64 : vector<1x128xf32> to vector<1024x128xf32>
    %mul3A_66 = arith.mulf %get3A_61, %mul3A_65 : vector<1024x128xf32>
    %get3A_67 = arith.constant 0 : index
    %get3A_68 = arith.constant 0 : index
    %get3A_69 = vector.load %arg12[%get3A_67, %get3A_68] : memref<1x128xf32, #tpu.memory_space<vmem>>, vector<1x128xf32>
    %add3A_70 = vector.broadcast %get3A_69 : vector<1x128xf32> to vector<1024x128xf32>
    %add3A_71 = arith.addf %mul3A_66, %add3A_70 : vector<1024x128xf32>
    %add3A_72 = arith.addf %reduce_max3A_58, %add3A_71 : vector<1024x128xf32>
    %ge3A_73 = arith.constant 0.000000e+00 : f32
    %ge3A_74 = vector.broadcast %ge3A_73 : f32 to vector<1024x128xf32>
    %ge3A_75 = arith.cmpf oge, %add3A_72, %ge3A_74 : vector<1024x128xf32>
    %mul3A_76 = arith.constant 2.000000e-01 : f32
    %mul3A_77 = vector.broadcast %mul3A_76 : f32 to vector<1024x128xf32>
    %mul3A_78 = arith.mulf %mul3A_77, %add3A_72 : vector<1024x128xf32>
    %select_n3A_79 = arith.select %ge3A_75, %add3A_72, %mul3A_78 : vector<1024x128xi1>, vector<1024x128xf32>
    %swap3A = arith.constant 0 : index
    %swap3A_80 = arith.constant 0 : index
    %swap3A_81 = vector.load %arg13[%swap3A, %swap3A_80] : memref<1024x128xf32, #tpu.memory_space<vmem>>, vector<1024x128xf32>
    tpu.vector_store %arg13[%swap3A, %swap3A_80], %select_n3A_79 {strides = array<i32>} : memref<1024x128xf32, #tpu.memory_space<vmem>>, vector<1024x128xf32>,
    return
  }
  func.func @transform_0(%arg0: i32) -> (i32, i32) {
    %c0_i32 = arith.constant 0 : i32
    %c0_i32_0 = arith.constant 0 : i32
    return %arg0, %c0_i32 : i32, i32
  }
  func.func @transform_1(%arg0: i32) -> (i32, i32) {
    %c0_i32 = arith.constant 0 : i32
    %c0_i32_0 = arith.constant 0 : i32
    return %arg0, %c0_i32 : i32, i32
  }
  func.func @transform_2(%arg0: i32) -> (i32, i32) {
    %c0_i32 = arith.constant 0 : i32
    %c0_i32_0 = arith.constant 0 : i32
    return %arg0, %c0_i32 : i32, i32
  }
  func.func @transform_3(%arg0: i32) -> (i32, i32) {
    %c0_i32 = arith.constant 0 : i32
    %c0_i32_0 = arith.constant 0 : i32
    %c0_i32_1 = arith.constant 0 : i32
    return %c0_i32, %c0_i32_0 : i32, i32
  }
  func.func @transform_4(%arg0: i32) -> (i32, i32) {
    %c0_i32 = arith.constant 0 : i32
    %c0_i32_0 = arith.constant 0 : i32
    %c0_i32_1 = arith.constant 0 : i32
    return %c0_i32, %c0_i32_0 : i32, i32
  }
  func.func @transform_5(%arg0: i32) -> (i32, i32) {
    %c0_i32 = arith.constant 0 : i32
    %c0_i32_0 = arith.constant 0 : i32
    %c0_i32_1 = arith.constant 0 : i32
    return %c0_i32, %c0_i32_0 : i32, i32
  }
  func.func @transform_6(%arg0: i32) -> (i32, i32) {
    %c0_i32 = arith.constant 0 : i32
    %c0_i32_0 = arith.constant 0 : i32
    %c0_i32_1 = arith.constant 0 : i32
    return %c0_i32, %c0_i32_0 : i32, i32
  }
  func.func @transform_7(%arg0: i32) -> (i32, i32) {
    %c0_i32 = arith.constant 0 : i32
    %c0_i32_0 = arith.constant 0 : i32
    %c0_i32_1 = arith.constant 0 : i32
    return %c0_i32, %c0_i32_0 : i32, i32
  }
  func.func @transform_8(%arg0: i32) -> (i32, i32) {
    %c0_i32 = arith.constant 0 : i32
    %c0_i32_0 = arith.constant 0 : i32
    %c0_i32_1 = arith.constant 0 : i32
    return %c0_i32, %c0_i32_0 : i32, i32
  }
  func.func @transform_9(%arg0: i32) -> (i32, i32) {
    %c0_i32 = arith.constant 0 : i32
    %c0_i32_0 = arith.constant 0 : i32
    return %arg0, %c0_i32 : i32, i32
  }
  func.func @transform_10(%arg0: i32) -> (i32, i32) {
    %c0_i32 = arith.constant 0 : i32
    %c0_i32_0 = arith.constant 0 : i32
    %c0_i32_1 = arith.constant 0 : i32
    return %c0_i32, %c0_i32_0 : i32, i32
  }
  func.func @transform_11(%arg0: i32) -> (i32, i32) {
    %c0_i32 = arith.constant 0 : i32
    %c0_i32_0 = arith.constant 0 : i32
    %c0_i32_1 = arith.constant 0 : i32
    return %c0_i32, %c0_i32_0 : i32, i32
  }
  func.func @transform_12(%arg0: i32) -> (i32, i32) {
    %c0_i32 = arith.constant 0 : i32
    %c0_i32_0 = arith.constant 0 : i32
    return %arg0, %c0_i32 : i32, i32
  }
}

</mosaic_0001>

<sc_bundles>
// kernel: kernel.9.cloned.1.call-start
scs
__scs_entry_jumppad:
0x0: {  	(pc) =	sbr.rel $0x88, $3  }
0x1: {  	(tag) =	ssettag $0x0;
	lr =	simm.s32 $0x1  }
0x2: {  	[smem:$0x3F93] =	sst lr;
	_ =	strace $0xD0000000  }
0x3: {  	_ = 	snop  }
0x4: {  	_ = 	snop  }
0x5: {  	_ = 	snop  }
0x6: {  	_ = 	snop  }
0x7: {  	_ = 	snop  }
__scs_overlays_trampoline_lowered:
0x8: {  	[smem:$0x3FA2] =	sst s0  }
0x9: {  	[smem:$0x3FA3] =	sst s1  }
0xa: {  	[smem:$0x3FA4] =	sst s2  }
0xb: {  	[smem:$0x3FA5] =	sst s3  }
0xc: {  	[smem:$0x3FA6] =	sst s4  }
0xd: {  	[smem:$0x3FA7] =	sst s5  }
0xe: {  	[smem:$0x3FA8] =	sst s6  }
0xf: {  	[smem:$0x3FA9] =	sst s7  }
0x10: {  	[smem:$0x3FAA] =	sst s8  }
0x11: {  	[smem:$0x3FAB] =	sst s9;
	s0 =	simm.s32 @!p0 $0x0  }
0x12: {  	s1 =	sld [smem:$0x3F91];
	s0 =	simm.s32 @p0 $0x1  }
0x13: {  	[smem:$0x3FAC] =	sst s0;
	s0 =	simm.s32 @!p1 $0x0  }
0x14: {  	s2 =	sld [smem:$0x3F90];
	s0 =	simm.s32 @p1 $0x1  }
0x15: {  	[smem:$0x3FAD] =	sst s0;
	s0 =	simm.s32 @!p2 $0x0  }
0x16: {  	s3 =	sld [smem:$0x3FDB];
	s0 =	simm.s32 @p2 $0x1  }
0x17: {  	s4 =	simm.s32 $0x1BF5;
	[smem:$0x3FAF] =	sst s0  }
0x18: {  	s0 =	sld [smem:$0x3F92];
	_ =	swait.ge [sflag:s4], $0x0  }
0x19: {  	s7 =	sld [smem:$0x3F93]  }
0x1a: {  	s8 =	sadd.s32 $0xFFFFE003, lr  }
0x1b: {  	s9 =	sadd.s32 $0xFFFFFEF7, lr;
	s5 =	simm.s32 $0xFFFFFFFF;
	p2 =	slt.u32 s8, $0xFFFFF086  }
0x1c: {  	p1 =	slt.u32 s9, $0xF7A;
	s5 =	simm.s32 @!p2 $0x0  }
0x1d: {  	s5 =	simm.s32 @p1 $0x1;
	p0 =	seq.s32 s7, s2  }
0x1e: {  	s7 =	smul.u32 @!p0 $0xF7A, s2;
	p2 =	seq.s32 @!p0 s5, $0x0  }
0x1f: {  	s9 =	smul.u32 $0xF7A, s1;
	s8 =	simm.s32 @!p0 $0x1BF5;
	p2 =	por !p2, p0  }
0x20: {  	[sflag:s8] =	ssyncset.s32 @!p0 $0xFFFFF086;
	s6 =	sadd.s32 @!p0 s3, s7;
	s7 =	simm.s32 @!p0 $0x108  }
0x21: {  	s3 =	sadd.s32 s3, s9;
	s6 =	sadd.s32 @!p0 $0x88, s6;
	s7 =	simm.s32 @p2 $0x1082  }
0x22: {  	[simem:s7], [sflag:s8] =	dma.local @!p0 [hbm:s6], $0xF7A  }
0x23: {  	s9 =	sor.u32 $0xD0000000, s2;
	s6 =	simm.s32 $0x108;
	_ =	swait.ge @!p0 [sflag:s8], $0x0  }
0x24: {  	s3 =	sadd.s32 $0x88, s3;
	s6 =	simm.s32 @!p1 $0x1082;
	[sflag:s4] =	ssyncset.s32 $0xFFFFF086  }
0x25: {  	[simem:s6], [sflag:s4] =	dma.local [hbm:s3], $0xF7A  }
0x26: {  	[smem:$0x3F93] =	sst s1;
	(tag) =	ssettag s2;
	_ =	strace s9  }
0x27: {  	s1 =	sld [smem:$0x3FA3]  }
0x28: {  	s2 =	sld [smem:$0x3FA4]  }
0x29: {  	s4 =	sld [smem:$0x3FA6]  }
0x2a: {  	p0 =	seq.s32 s5, $0x0;
	s5 =	sld [smem:$0x3FA7]  }
0x2b: {  	s6 =	sld [smem:$0x3FA8]  }
0x2c: {  	s7 =	sld [smem:$0x3FA9]  }
0x2d: {  	s3 =	simm.s32 $0x108;
	s8 =	sld [smem:$0x3FAA]  }
0x2e: {  	s3 =	simm.s32 @!p0 $0x1082;
	s9 =	sld [smem:$0x3FAB]  }
0x2f: {  	lr =	sadd.s32 s0, s3;
	s0 =	sld [smem:$0x3FA2]  }
0x30: {  	s3 =	sld [smem:$0x3FA5]  }
0x31: {  	[smem:$0x3FAE] =	sst s10  }
0x32: {  	s10 =	sld [smem:$0x3FAC];
	_ =	sdelay $0x3  }
0x33: {  	p0 =	seq.s32 s10, $0x1;
	s10 =	sld [smem:$0x3FAE];
	_ =	sdelay $0x3  }
0x34: {  	[smem:$0x3FAE] =	sst s10  }
0x35: {  	s10 =	sld [smem:$0x3FAD];
	_ =	sdelay $0x3  }
0x36: {  	p1 =	seq.s32 s10, $0x1;
	s10 =	sld [smem:$0x3FAE];
	_ =	sdelay $0x3  }
0x37: {  	[smem:$0x3FAE] =	sst s10  }
0x38: {  	s10 =	sld [smem:$0x3FAF]  }
0x39: {  	_ = 	snop;
	(pc) =	sbr.ind lr, $3  }
0x3a: {  	_ = 	snop  }
0x3b: {  	_ = 	snop  }
0x3c: {  	p2 =	seq.s32 s10, $0x1;
	s10 =	sld [smem:$0x3FAE]  }
0x3d: {  	_ =	shalt  }
0x3e: {  	_ =	shalt  }
0x3f: {  	_ =	shalt  }
0x40: {  	_ =	shalt  }
0x41: {  	_ =	shalt  }
0x42: {  	_ =	shalt  }
0x43: {  	_ =	shalt  }
0x44: {  	_ =	shalt  }
0x45: {  	_ =	shalt  }
0x46: {  	_ =	shalt  }
0x47: {  	_ =	shalt  }
0x48: {  	_ =	shalt  }
0x49: {  	_ =	shalt  }
0x4a: {  	_ =	shalt  }
0x4b: {  	_ =	shalt  }
0x4c: {  	_ =	shalt  }
0x4d: {  	_ =	shalt  }
0x4e: {  	_ =	shalt  }
0x4f: {  	_ =	shalt  }
0x50: {  	_ =	shalt  }
0x51: {  	_ =	shalt  }
0x52: {  	_ =	shalt  }
0x53: {  	_ =	shalt  }
0x54: {  	_ =	shalt  }
0x55: {  	_ =	shalt  }
0x56: {  	_ =	shalt  }
0x57: {  	_ =	shalt  }
0x58: {  	_ =	shalt  }
0x59: {  	_ =	shalt  }
0x5a: {  	_ =	shalt  }
0x5b: {  	_ =	shalt  }
0x5c: {  	_ =	shalt  }
0x5d: {  	_ =	shalt  }
0x5e: {  	_ =	shalt  }
0x5f: {  	_ =	shalt  }
0x60: {  	_ =	shalt  }
0x61: {  	_ =	shalt  }
0x62: {  	_ =	shalt  }
0x63: {  	_ =	shalt  }
0x64: {  	_ =	shalt  }
0x65: {  	_ =	shalt  }
0x66: {  	_ =	shalt  }
0x67: {  	_ =	shalt  }
0x68: {  	_ =	shalt  }
0x69: {  	_ =	shalt  }
0x6a: {  	_ =	shalt  }
0x6b: {  	_ =	shalt  }
0x6c: {  	_ =	shalt  }
0x6d: {  	_ =	shalt  }
0x6e: {  	_ =	shalt  }
0x6f: {  	_ =	shalt  }
0x70: {  	_ =	shalt  }
0x71: {  	_ =	shalt  }
0x72: {  	_ =	shalt  }
0x73: {  	_ =	shalt  }
0x74: {  	_ =	shalt  }
0x75: {  	_ =	shalt  }
0x76: {  	_ =	shalt  }
0x77: {  	_ =	shalt  }
0x78: {  	_ =	shalt  }
0x79: {  	_ =	shalt  }
0x7a: {  	_ =	shalt  }
0x7b: {  	_ =	shalt  }
0x7c: {  	_ =	shalt  }
0x7d: {  	_ =	shalt  }
0x7e: {  	_ =	shalt  }
0x7f: {  	_ =	shalt  }
0x80: {  	_ =	shalt  }
0x81: {  	_ =	shalt  }
0x82: {  	_ =	shalt  }
0x83: {  	_ =	shalt  }
0x84: {  	_ =	shalt  }
0x85: {  	_ =	shalt  }
0x86: {  	_ =	shalt  }
0x87: {  	_ =	shalt  }
.Lfunc_end0:
.L_simem_size_0:
called_computation_lowered:
.L_overlay_start_0:
0x88: {  	s2 =	sld [smem:$0x3FD9]  }
0x89: {  	s3 =	sld [smem:$0x3FFE];
	_ =	sdelay $0x1  }
0x8a: {  	s1 =	srdreg.scid  }
0x8b: {  	s0 =	sand.u32 $0x1, s1  }
0x8c: {  	s17 =	sshll.u32 s0, $0xA;
	s2 =	sadd.s32 s3, s2  }
0x8d: {  	s2 =	sadd.s32 s2, s17  }
0x8e: {  	[smem:$0x3FBA] =	sst s2  }
0x8f: {  	_ = 	snop  }
0x90: {  	s2 =	sld [smem:$0x3FD0];
	(tm) =	ssettm $0x1  }
0x91: {  	s18 =	sld [smem:$0x3FFB];
	_ =	sdelay $0x3  }
0x92: {  	_ =	strace s18  }
0x93: {  	s3 =	sld [smem:$0x3FFC];
	_ =	sdelay $0x3  }
0x94: {  	_ =	strace s3  }
0x95: {  	s3 =	sld [smem:$0x3FFD];
	_ =	sdelay $0x3  }
0x96: {  	_ =	strace s3  }
0x97: {  	_ =	strace $0x8FFFFFFF  }
0x98: {  	s19 =	sld [smem:$0x3FDB];
	_ =	sdelay $0x1  }
0x99: {  	s4 =	simm.s32 $_scs_section_size  }
0x9a: {  	s5 =	simm.s32 $_size__tile_overlayer_lowered;
	s6 =	simm.s32 $_tile_overlayer_lowered  }
0x9b: {  	s22 =	simm.s32 $0x1BFF;
	s21 =	sshll.u32 s6, $0x1;
	s3 =	sadd.s32 s4, s19  }
0x9c: {  	s7 =	simm.s32 $0x0;
	s20 =	sshll.u32 s5, $0x1;
	s5 =	sadd.s32 s21, s3  }
0x9d: {  	[timem:s7], [sflag:s22] =	dma.local [hbm:s5], s20  }
0x9e: {  	_ =	swait.ge [sflag:s22], s20  }
0x9f: {  	s4 =	ssub.s32 $0x0, s20;
	[sflag:s22] =	ssyncset.done $0x0  }
0xa0: {  	[sflag:s22] =	ssyncadd.s32 s4;
	_ =	sdelay $0x1  }
0xa1: {  	s23 =	simm.s32 $0x1B8B  }
0xa2: {  	_ =	swait.ge [sflag:s23], $0x1  }
0xa3: {  	[sflag:s23] =	ssyncset.done $0x0  }
0xa4: {  	s25 =	simm.s32 $0x1B8E;
	s24 =	sld [smem:$0x3FFE];
	[sflag:s23] =	ssyncadd.s32 $0xFFFFFFFF  }
0xa5: {  	s26 =	simm.s32 $execute0_lowered;
	[smem:$0x3FD2] =	sst s25  }
0xa6: {  	s5 =	sshll.u32 s26, $0x1;
	_ =	strace $0x80000046;
	[dreg:$0x1] =	wrdreg $0xFFFFFFFF  }
0xa7: {  	s28 =	simm.s32 $_size_execute0_lowered;
	s3 =	sadd.s32 s3, s5;
	[dreg:$0x0] =	wrdreg $0x0  }
0xa8: {  	s5 =	sshll.u32 s28, $0x1;
	[dreg:$0x2] =	wrdreg s3  }
0xa9: {  	[dreg:$0x3] =	wrdreg s5  }
0xaa: {  	[dreg:$0x4] =	wrdreg $0xC0  }
0xab: {  	_ =	task [dreg:s7], $0x5FFFF  }
0xac: {  	[dreg:$0x1] =	wrdreg $0xFFFFFFFF  }
0xad: {  	[dreg:$0x0] =	wrdreg $0x60  }
0xae: {  	[dreg:$0x2] =	wrdreg s2  }
0xaf: {  	[dreg:$0x3] =	wrdreg s24  }
0xb0: {  	[dreg:$0x4] =	wrdreg $0x9  }
0xb1: {  	_ =	task.clear_ibuf [dreg:s7], $0x5FFFF;
	_ =	strace $0x90000046  }
0xb2: {  	s29 =	simm.s32 $0x9;
	_ =	strace $0x80000048  }
0xb3: {  	_ =	swait.ge [sflag:s29], $0x1  }
0xb4: {  	[sflag:s29] =	ssyncadd.s32 $0xFFFFFFFF  }
0xb5: {  	_ =	strace $0x90000048  }
0xb6: {  	_ =	sfence  }
0xb7: {  	s30 =	sld [smem:$0x0];
	_ =	sdelay $0x2  }
0xb8: {  	s31 =	sshll.u32 s1, $0xD;
	s1 =	sshrl.u32 s1, $0x2  }
0xb9: {  	s3 =	sand.u32 $0x4000, s31;
	s1 =	sadd.s32 s1, s30  }
0xba: {  	s0 =	sor.u32 s3, s0;
	s1 =	sshll.u32 s1, $0x11  }
0xbb: {  	s0 =	sor.u32 s1, s0  }
0xbc: {  	s0 =	sadd.s32 $0x8F2B, s0  }
0xbd: {  	[sflag:s0] =	ssyncadd.remote.s32 $0x1  }
0xbe: {  	_ =	sfence.sel $0xFFFF  }
0xbf: {  	[dreg:$0x0] =	wrdreg $0xFFFFFFFF;
	(pc) =	sbr.abs _section_cstart, $3  }
0xc0: {  	[dreg:$0x1] =	wrdreg $0xFFFFFFFF  }
0xc1: {  	_ =	task.clear_ibuf [dreg:s7], $0x2FFFF;
	_ =	strace $0x9FFFFFFF  }
0xc2: {  	(tm) =	ssettm $0x7FFFFFFF  }
0xc3: {  	_ =	shalt  }
tec
execute0_lowered:
.L_overlay_start_1:
0x0: {  	(tag) =	ssettag $0x1  }
0x1: {  	s2 =	rddreg [dreg:$0x0];
	s0 =	srdreg.scid  }
0x2: {  	s4 =	rddreg [dreg:$0x1];
	s1 =	stileid.u32;
	s31 =	sand.u32 $0x1, s0  }
0x3: {  	s3 =	simm.s32 $0x0;
	s1 =	sshll.u32 s1, $0xE;
	s5 =	sshll.u32 s31, $0xD  }
0x4: {  	[smem:$0x7FF] =	sst s3;
	s30 =	sadd.s32 $0xC3C00, s4;
	s1 =	sor.u32 s5, s1  }
0x5: {  	s0 =	sadd.s32 $0xCBC00, s4;
	_ =	strace $0x80000047;
	s5 =	sshrl.u32 s1, $0x3  }
0x6: {  	s7 =	sshll.u32 s1, $0x4;
	s9 =	sor.u32 $0x200, s1;
	s6 =	sadd.s32 s30, s5  }
0x7: {  	s8 =	sadd.s32 s0, s7;
	s10 =	sshrl.u32 s9, $0x3;
	[dreg:$0x3] =	wrdreg s6  }
0x8: {  	s5 =	sshll.u32 s9, $0x4;
	[dreg:$0x4] =	wrdreg s8;
	s4 =	sadd.s32 s30, s10  }
0x9: {  	s16 =	sor.u32 $0x600, s1;
	s11 =	sadd.s32 s0, s5;
	[dreg:$0x5] =	wrdreg s4  }
0xa: {  	s17 =	sshrl.u32 s16, $0x3;
	s6 =	sor.u32 $0x400, s1;
	[dreg:$0x6] =	wrdreg s11  }
0xb: {  	s5 =	sshll.u32 s16, $0x4;
	s4 =	sadd.s32 s30, s17;
	s18 =	rddreg [dreg:$0x3]  }
0xc: {  	s12 =	sshrl.u32 s6, $0x3;
	s19 =	sadd.s32 s0, s5;
	[dreg:$0x9] =	wrdreg s4  }
0xd: {  	s14 =	sshll.u32 s6, $0x4;
	s13 =	sadd.s32 s30, s12;
	[dreg:$0xa] =	wrdreg s19  }
0xe: {  	[tilespmem:s3], [sflag:$0x2] =	stream.linear.gather [hbm4b:s18+s3], $0x200, $0x38;
	[tilespmem:$0x10200] =	vst v63  }
0xf: {  	s15 =	sadd.s32 s0, s14;
	[dreg:$0x7] =	wrdreg s13  }
0x10: {  	s4 =	simm.s32 $0x2;
	[dreg:$0x8] =	wrdreg s15  }
0x11: {  	_ =	swait.ge [sflag:s4], $0x200  }
0x12: {  	[sflag:s4] =	ssyncset.done $0x0  }
0x13: {  	s5 =	simm.s32 $0x200;
	s6 =	simm.s32 $0x1;
	[sflag:s4] =	ssyncadd.s32 $0xFFFFFE00  }
0x14: {  	[tilespmem:s5], [sflag:$0x1] =	stream.indirect.gather [hbm4b:s2+s5], $0x80, s3, s5, $0xb8;
	[tilespmem:$0x10200] =	vst v63  }
0x15: {  	_ =	swait.ge [sflag:s6], $0x10000  }
0x16: {  	[sflag:s6] =	ssyncset.done $0x0  }
0x17: {  	s7 =	rddreg [dreg:$0x4];
	[sflag:s6] =	ssyncadd.s32 $0xFFFF0000  }
0x18: {  	[hbm4b:s7+s3] =	stream.linear.scatter [tilespmem:s5], [sflag:$0x2], $0x10000, $0x38;
	[tilespmem:$0x10200] =	vst v63  }
0x19: {  	_ =	swait.ge [sflag:s4], $0x10000  }
0x1a: {  	[sflag:s4] =	ssyncset.done $0x0  }
0x1b: {  	s20 =	rddreg [dreg:$0x5];
	[sflag:s4] =	ssyncadd.s32 $0xFFFF0000  }
0x1c: {  	[tilespmem:s3], [sflag:$0x2] =	stream.linear.gather [hbm4b:s20+s3], $0x200, $0x38;
	[tilespmem:$0x10200] =	vst v63  }
0x1d: {  	_ =	swait.ge [sflag:s4], $0x200  }
0x1e: {  	[sflag:s4] =	ssyncset.done $0x0  }
0x1f: {  	[sflag:s4] =	ssyncadd.s32 $0xFFFFFE00  }
0x20: {  	[tilespmem:s5], [sflag:$0x1] =	stream.indirect.gather [hbm4b:s2+s5], $0x80, s3, s5, $0xb8;
	[tilespmem:$0x10200] =	vst v63  }
0x21: {  	_ =	swait.ge [sflag:s6], $0x10000  }
0x22: {  	[sflag:s6] =	ssyncset.done $0x0  }
0x23: {  	s21 =	rddreg [dreg:$0x6];
	[sflag:s6] =	ssyncadd.s32 $0xFFFF0000  }
0x24: {  	[hbm4b:s21+s3] =	stream.linear.scatter [tilespmem:s5], [sflag:$0x2], $0x10000, $0x38;
	[tilespmem:$0x10200] =	vst v63  }
0x25: {  	_ =	swait.ge [sflag:s4], $0x10000  }
0x26: {  	[sflag:s4] =	ssyncset.done $0x0  }
0x27: {  	s22 =	rddreg [dreg:$0x7];
	[sflag:s4] =	ssyncadd.s32 $0xFFFF0000  }
0x28: {  	[tilespmem:s3], [sflag:$0x2] =	stream.linear.gather [hbm4b:s22+s3], $0x200, $0x38;
	[tilespmem:$0x10200] =	vst v63  }
0x29: {  	_ =	swait.ge [sflag:s4], $0x200  }
0x2a: {  	[sflag:s4] =	ssyncset.done $0x0  }
0x2b: {  	[sflag:s4] =	ssyncadd.s32 $0xFFFFFE00  }
0x2c: {  	[tilespmem:s5], [sflag:$0x1] =	stream.indirect.gather [hbm4b:s2+s5], $0x80, s3, s5, $0xb8;
	[tilespmem:$0x10200] =	vst v63  }
0x2d: {  	_ =	swait.ge [sflag:s6], $0x10000  }
0x2e: {  	[sflag:s6] =	ssyncset.done $0x0  }
0x2f: {  	s23 =	rddreg [dreg:$0x8];
	[sflag:s6] =	ssyncadd.s32 $0xFFFF0000  }
0x30: {  	[hbm4b:s23+s3] =	stream.linear.scatter [tilespmem:s5], [sflag:$0x2], $0x10000, $0x38;
	[tilespmem:$0x10200] =	vst v63  }
0x31: {  	_ =	swait.ge [sflag:s4], $0x10000  }
0x32: {  	[sflag:s4] =	ssyncset.done $0x0  }
0x33: {  	s24 =	rddreg [dreg:$0x9];
	[sflag:s4] =	ssyncadd.s32 $0xFFFF0000  }
0x34: {  	[tilespmem:s3], [sflag:$0x2] =	stream.linear.gather [hbm4b:s24+s3], $0x200, $0x38;
	[tilespmem:$0x10200] =	vst v63  }
0x35: {  	_ =	swait.ge [sflag:s4], $0x200  }
0x36: {  	[sflag:s4] =	ssyncset.done $0x0  }
0x37: {  	[sflag:s4] =	ssyncadd.s32 $0xFFFFFE00  }
0x38: {  	[tilespmem:s5], [sflag:$0x1] =	stream.indirect.gather [hbm4b:s2+s5], $0x80, s3, s5, $0xb8;
	[tilespmem:$0x10200] =	vst v63  }
0x39: {  	_ =	swait.ge [sflag:s6], $0x10000  }
0x3a: {  	[sflag:s6] =	ssyncset.done $0x0  }
0x3b: {  	s25 =	rddreg [dreg:$0xa];
	[sflag:s6] =	ssyncadd.s32 $0xFFFF0000  }
0x3c: {  	[hbm4b:s25+s3] =	stream.linear.scatter [tilespmem:s5], [sflag:$0x2], $0x10000, $0x38;
	[tilespmem:$0x10200] =	vst v63  }
0x3d: {  	s8 =	sor.u32 $0x800, s1;
	_ =	swait.ge [sflag:s4], $0x10000  }
0x3e: {  	s26 =	sshrl.u32 s8, $0x3;
	[sflag:s4] =	ssyncset.done $0x0  }
0x3f: {  	s7 =	sadd.s32 s30, s26;
	[sflag:s4] =	ssyncadd.s32 $0xFFFF0000  }
0x40: {  	[tilespmem:s3], [sflag:$0x2] =	stream.linear.gather [hbm4b:s7+s3], $0x200, $0x38;
	[tilespmem:$0x10200] =	vst v63  }
0x41: {  	_ =	swait.ge [sflag:s4], $0x200  }
0x42: {  	[sflag:s4] =	ssyncset.done $0x0  }
0x43: {  	[sflag:s4] =	ssyncadd.s32 $0xFFFFFE00  }
0x44: {  	[tilespmem:s5], [sflag:$0x1] =	stream.indirect.gather [hbm4b:s2+s5], $0x80, s3, s5, $0xb8;
	[tilespmem:$0x10200] =	vst v63  }
0x45: {  	_ =	swait.ge [sflag:s6], $0x10000  }
0x46: {  	s8 =	sshll.u32 s8, $0x4;
	[sflag:s6] =	ssyncset.done $0x0  }
0x47: {  	s8 =	sadd.s32 s0, s8;
	[sflag:s6] =	ssyncadd.s32 $0xFFFF0000  }
0x48: {  	[hbm4b:s8+s3] =	stream.linear.scatter [tilespmem:s5], [sflag:$0x2], $0x10000, $0x38;
	[tilespmem:$0x10200] =	vst v63  }
0x49: {  	s10 =	sor.u32 $0xA00, s1;
	_ =	swait.ge [sflag:s4], $0x10000  }
0x4a: {  	s9 =	sshrl.u32 s10, $0x3;
	[sflag:s4] =	ssyncset.done $0x0  }
0x4b: {  	s9 =	sadd.s32 s30, s9;
	[sflag:s4] =	ssyncadd.s32 $0xFFFF0000  }
0x4c: {  	[tilespmem:s3], [sflag:$0x2] =	stream.linear.gather [hbm4b:s9+s3], $0x200, $0x38;
	[tilespmem:$0x10200] =	vst v63  }
0x4d: {  	_ =	swait.ge [sflag:s4], $0x200  }
0x4e: {  	[sflag:s4] =	ssyncset.done $0x0  }
0x4f: {  	[sflag:s4] =	ssyncadd.s32 $0xFFFFFE00  }
0x50: {  	[tilespmem:s5], [sflag:$0x1] =	stream.indirect.gather [hbm4b:s2+s5], $0x80, s3, s5, $0xb8;
	[tilespmem:$0x10200] =	vst v63  }
0x51: {  	_ =	swait.ge [sflag:s6], $0x10000  }
0x52: {  	s10 =	sshll.u32 s10, $0x4;
	[sflag:s6] =	ssyncset.done $0x0  }
0x53: {  	s10 =	sadd.s32 s0, s10;
	[sflag:s6] =	ssyncadd.s32 $0xFFFF0000  }
0x54: {  	[hbm4b:s10+s3] =	stream.linear.scatter [tilespmem:s5], [sflag:$0x2], $0x10000, $0x38;
	[tilespmem:$0x10200] =	vst v63  }
0x55: {  	s12 =	sor.u32 $0xC00, s1;
	_ =	swait.ge [sflag:s4], $0x10000  }
0x56: {  	s11 =	sshrl.u32 s12, $0x3;
	[sflag:s4] =	ssyncset.done $0x0  }
0x57: {  	s11 =	sadd.s32 s30, s11;
	[sflag:s4] =	ssyncadd.s32 $0xFFFF0000  }
0x58: {  	[tilespmem:s3], [sflag:$0x2] =	stream.linear.gather [hbm4b:s11+s3], $0x200, $0x38;
	[tilespmem:$0x10200] =	vst v63  }
0x59: {  	_ =	swait.ge [sflag:s4], $0x200  }
0x5a: {  	[sflag:s4] =	ssyncset.done $0x0  }
0x5b: {  	[sflag:s4] =	ssyncadd.s32 $0xFFFFFE00  }
0x5c: {  	[tilespmem:s5], [sflag:$0x1] =	stream.indirect.gather [hbm4b:s2+s5], $0x80, s3, s5, $0xb8;
	[tilespmem:$0x10200] =	vst v63  }
0x5d: {  	_ =	swait.ge [sflag:s6], $0x10000  }
0x5e: {  	s12 =	sshll.u32 s12, $0x4;
	[sflag:s6] =	ssyncset.done $0x0  }
0x5f: {  	s12 =	sadd.s32 s0, s12;
	[sflag:s6] =	ssyncadd.s32 $0xFFFF0000  }
0x60: {  	[hbm4b:s12+s3] =	stream.linear.scatter [tilespmem:s5], [sflag:$0x2], $0x10000, $0x38;
	[tilespmem:$0x10200] =	vst v63  }
0x61: {  	s14 =	sor.u32 $0xE00, s1;
	_ =	swait.ge [sflag:s4], $0x10000  }
0x62: {  	s13 =	sshrl.u32 s14, $0x3;
	[sflag:s4] =	ssyncset.done $0x0  }
0x63: {  	s13 =	sadd.s32 s30, s13;
	[sflag:s4] =	ssyncadd.s32 $0xFFFF0000  }
0x64: {  	[tilespmem:s3], [sflag:$0x2] =	stream.linear.gather [hbm4b:s13+s3], $0x200, $0x38;
	[tilespmem:$0x10200] =	vst v63  }
0x65: {  	_ =	swait.ge [sflag:s4], $0x200  }
0x66: {  	[sflag:s4] =	ssyncset.done $0x0  }
0x67: {  	[sflag:s4] =	ssyncadd.s32 $0xFFFFFE00  }
0x68: {  	[tilespmem:s5], [sflag:$0x1] =	stream.indirect.gather [hbm4b:s2+s5], $0x80, s3, s5, $0xb8;
	[tilespmem:$0x10200] =	vst v63  }
0x69: {  	_ =	swait.ge [sflag:s6], $0x10000  }
0x6a: {  	s14 =	sshll.u32 s14, $0x4;
	[sflag:s6] =	ssyncset.done $0x0  }
0x6b: {  	s14 =	sadd.s32 s0, s14;
	[sflag:s6] =	ssyncadd.s32 $0xFFFF0000  }
0x6c: {  	[hbm4b:s14+s3] =	stream.linear.scatter [tilespmem:s5], [sflag:$0x2], $0x10000, $0x38;
	[tilespmem:$0x10200] =	vst v63  }
0x6d: {  	s16 =	sor.u32 $0x1000, s1;
	_ =	swait.ge [sflag:s4], $0x10000  }
0x6e: {  	s15 =	sshrl.u32 s16, $0x3;
	[sflag:s4] =	ssyncset.done $0x0  }
0x6f: {  	s15 =	sadd.s32 s30, s15;
	[sflag:s4] =	ssyncadd.s32 $0xFFFF0000  }
0x70: {  	[tilespmem:s3], [sflag:$0x2] =	stream.linear.gather [hbm4b:s15+s3], $0x200, $0x38;
	[tilespmem:$0x10200] =	vst v63  }
0x71: {  	_ =	swait.ge [sflag:s4], $0x200  }
0x72: {  	[sflag:s4] =	ssyncset.done $0x0  }
0x73: {  	[sflag:s4] =	ssyncadd.s32 $0xFFFFFE00  }
0x74: {  	[tilespmem:s5], [sflag:$0x1] =	stream.indirect.gather [hbm4b:s2+s5], $0x80, s3, s5, $0xb8;
	[tilespmem:$0x10200] =	vst v63  }
0x75: {  	_ =	swait.ge [sflag:s6], $0x10000  }
0x76: {  	s16 =	sshll.u32 s16, $0x4;
	[sflag:s6] =	ssyncset.done $0x0  }
0x77: {  	s16 =	sadd.s32 s0, s16;
	[sflag:s6] =	ssyncadd.s32 $0xFFFF0000  }
0x78: {  	[hbm4b:s16+s3] =	stream.linear.scatter [tilespmem:s5], [sflag:$0x2], $0x10000, $0x38;
	[tilespmem:$0x10200] =	vst v63  }
0x79: {  	s18 =	sor.u32 $0x1200, s1;
	_ =	swait.ge [sflag:s4], $0x10000  }
0x7a: {  	s17 =	sshrl.u32 s18, $0x3;
	[sflag:s4] =	ssyncset.done $0x0  }
0x7b: {  	s17 =	sadd.s32 s30, s17;
	[sflag:s4] =	ssyncadd.s32 $0xFFFF0000  }
0x7c: {  	[tilespmem:s3], [sflag:$0x2] =	stream.linear.gather [hbm4b:s17+s3], $0x200, $0x38;
	[tilespmem:$0x10200] =	vst v63  }
0x7d: {  	_ =	swait.ge [sflag:s4], $0x200  }
0x7e: {  	[sflag:s4] =	ssyncset.done $0x0  }
0x7f: {  	[sflag:s4] =	ssyncadd.s32 $0xFFFFFE00  }
0x80: {  	[tilespmem:s5], [sflag:$0x1] =	stream.indirect.gather [hbm4b:s2+s5], $0x80, s3, s5, $0xb8;
	[tilespmem:$0x10200] =	vst v63  }
0x81: {  	_ =	swait.ge [sflag:s6], $0x10000  }
0x82: {  	s18 =	sshll.u32 s18, $0x4;
	[sflag:s6] =	ssyncset.done $0x0  }
0x83: {  	s18 =	sadd.s32 s0, s18;
	[sflag:s6] =	ssyncadd.s32 $0xFFFF0000  }
0x84: {  	[hbm4b:s18+s3] =	stream.linear.scatter [tilespmem:s5], [sflag:$0x2], $0x10000, $0x38;
	[tilespmem:$0x10200] =	vst v63  }
0x85: {  	s20 =	sor.u32 $0x1400, s1;
	_ =	swait.ge [sflag:s4], $0x10000  }
0x86: {  	s19 =	sshrl.u32 s20, $0x3;
	[sflag:s4] =	ssyncset.done $0x0  }
0x87: {  	s19 =	sadd.s32 s30, s19;
	[sflag:s4] =	ssyncadd.s32 $0xFFFF0000  }
0x88: {  	[tilespmem:s3], [sflag:$0x2] =	stream.linear.gather [hbm4b:s19+s3], $0x200, $0x38;
	[tilespmem:$0x10200] =	vst v63  }
0x89: {  	_ =	swait.ge [sflag:s4], $0x200  }
0x8a: {  	[sflag:s4] =	ssyncset.done $0x0  }
0x8b: {  	[sflag:s4] =	ssyncadd.s32 $0xFFFFFE00  }
0x8c: {  	[tilespmem:s5], [sflag:$0x1] =	stream.indirect.gather [hbm4b:s2+s5], $0x80, s3, s5, $0xb8;
	[tilespmem:$0x10200] =	vst v63  }
0x8d: {  	_ =	swait.ge [sflag:s6], $0x10000  }
0x8e: {  	s20 =	sshll.u32 s20, $0x4;
	[sflag:s6] =	ssyncset.done $0x0  }
0x8f: {  	s20 =	sadd.s32 s0, s20;
	[sflag:s6] =	ssyncadd.s32 $0xFFFF0000  }
0x90: {  	[hbm4b:s20+s3] =	stream.linear.scatter [tilespmem:s5], [sflag:$0x2], $0x10000, $0x38;
	[tilespmem:$0x10200] =	vst v63  }
0x91: {  	s22 =	sor.u32 $0x1600, s1;
	_ =	swait.ge [sflag:s4], $0x10000  }
0x92: {  	s21 =	sshrl.u32 s22, $0x3;
	[sflag:s4] =	ssyncset.done $0x0  }
0x93: {  	s21 =	sadd.s32 s30, s21;
	[sflag:s4] =	ssyncadd.s32 $0xFFFF0000  }
0x94: {  	[tilespmem:s3], [sflag:$0x2] =	stream.linear.gather [hbm4b:s21+s3], $0x200, $0x38;
	[tilespmem:$0x10200] =	vst v63  }
0x95: {  	_ =	swait.ge [sflag:s4], $0x200  }
0x96: {  	[sflag:s4] =	ssyncset.done $0x0  }
0x97: {  	[sflag:s4] =	ssyncadd.s32 $0xFFFFFE00  }
0x98: {  	[tilespmem:s5], [sflag:$0x1] =	stream.indirect.gather [hbm4b:s2+s5], $0x80, s3, s5, $0xb8;
	[tilespmem:$0x10200] =	vst v63  }
0x99: {  	_ =	swait.ge [sflag:s6], $0x10000  }
0x9a: {  	s22 =	sshll.u32 s22, $0x4;
	[sflag:s6] =	ssyncset.done $0x0  }
0x9b: {  	s22 =	sadd.s32 s0, s22;
	[sflag:s6] =	ssyncadd.s32 $0xFFFF0000  }
0x9c: {  	[hbm4b:s22+s3] =	stream.linear.scatter [tilespmem:s5], [sflag:$0x2], $0x10000, $0x38;
	[tilespmem:$0x10200] =	vst v63  }
0x9d: {  	s24 =	sor.u32 $0x1800, s1;
	_ =	swait.ge [sflag:s4], $0x10000  }
0x9e: {  	s23 =	sshrl.u32 s24, $0x3;
	[sflag:s4] =	ssyncset.done $0x0  }
0x9f: {  	s23 =	sadd.s32 s30, s23;
	[sflag:s4] =	ssyncadd.s32 $0xFFFF0000  }
0xa0: {  	[tilespmem:s3], [sflag:$0x2] =	stream.linear.gather [hbm4b:s23+s3], $0x200, $0x38;
	[tilespmem:$0x10200] =	vst v63  }
0xa1: {  	_ =	swait.ge [sflag:s4], $0x200  }
0xa2: {  	[sflag:s4] =	ssyncset.done $0x0  }
0xa3: {  	[sflag:s4] =	ssyncadd.s32 $0xFFFFFE00  }
0xa4: {  	[tilespmem:s5], [sflag:$0x1] =	stream.indirect.gather [hbm4b:s2+s5], $0x80, s3, s5, $0xb8;
	[tilespmem:$0x10200] =	vst v63  }
0xa5: {  	_ =	swait.ge [sflag:s6], $0x10000  }
0xa6: {  	s24 =	sshll.u32 s24, $0x4;
	[sflag:s6] =	ssyncset.done $0x0  }
0xa7: {  	s24 =	sadd.s32 s0, s24;
	[sflag:s6] =	ssyncadd.s32 $0xFFFF0000  }
0xa8: {  	[hbm4b:s24+s3] =	stream.linear.scatter [tilespmem:s5], [sflag:$0x2], $0x10000, $0x38;
	[tilespmem:$0x10200] =	vst v63  }
0xa9: {  	s26 =	sor.u32 $0x1A00, s1;
	_ =	swait.ge [sflag:s4], $0x10000  }
0xaa: {  	s25 =	sshrl.u32 s26, $0x3;
	[sflag:s4] =	ssyncset.done $0x0  }
0xab: {  	s25 =	sadd.s32 s30, s25;
	[sflag:s4] =	ssyncadd.s32 $0xFFFF0000  }
0xac: {  	[tilespmem:s3], [sflag:$0x2] =	stream.linear.gather [hbm4b:s25+s3], $0x200, $0x38;
	[tilespmem:$0x10200] =	vst v63  }
0xad: {  	_ =	swait.ge [sflag:s4], $0x200  }
0xae: {  	[sflag:s4] =	ssyncset.done $0x0  }
0xaf: {  	[sflag:s4] =	ssyncadd.s32 $0xFFFFFE00  }
0xb0: {  	[tilespmem:s5], [sflag:$0x1] =	stream.indirect.gather [hbm4b:s2+s5], $0x80, s3, s5, $0xb8;
	[tilespmem:$0x10200] =	vst v63  }
0xb1: {  	_ =	swait.ge [sflag:s6], $0x10000  }
0xb2: {  	s26 =	sshll.u32 s26, $0x4;
	[sflag:s6] =	ssyncset.done $0x0  }
0xb3: {  	s26 =	sadd.s32 s0, s26;
	[dreg:$0xb] =	wrdreg s0;
	[sflag:s6] =	ssyncadd.s32 $0xFFFF0000  }
0xb4: {  	[hbm4b:s26+s3] =	stream.linear.scatter [tilespmem:s5], [sflag:$0x2], $0x10000, $0x38;
	[tilespmem:$0x10200] =	vst v63  }
0xb5: {  	s29 =	sor.u32 $0x1C00, s1;
	_ =	swait.ge [sflag:s4], $0x10000  }
0xb6: {  	s28 =	sshrl.u32 s29, $0x3;
	[sflag:s4] =	ssyncset.done $0x0  }
0xb7: {  	s28 =	sadd.s32 s30, s28;
	[sflag:s4] =	ssyncadd.s32 $0xFFFF0000  }
0xb8: {  	[tilespmem:s3], [sflag:$0x2] =	stream.linear.gather [hbm4b:s28+s3], $0x200, $0x38;
	[tilespmem:$0x10200] =	vst v63  }
0xb9: {  	_ =	swait.ge [sflag:s4], $0x200  }
0xba: {  	[sflag:s4] =	ssyncset.done $0x0  }
0xbb: {  	[sflag:s4] =	ssyncadd.s32 $0xFFFFFE00  }
0xbc: {  	[tilespmem:s5], [sflag:$0x1] =	stream.indirect.gather [hbm4b:s2+s5], $0x80, s3, s5, $0xb8;
	[tilespmem:$0x10200] =	vst v63  }
0xbd: {  	_ =	swait.ge [sflag:s6], $0x10000  }
0xbe: {  	s29 =	sshll.u32 s29, $0x4;
	[sflag:s6] =	ssyncset.done $0x0  }
0xbf: {  	s29 =	sadd.s32 s0, s29;
	s1 =	sor.u32 $0x1E00, s1;
	[sflag:s6] =	ssyncadd.s32 $0xFFFF0000  }
0xc0: {  	[hbm4b:s29+s3] =	stream.linear.scatter [tilespmem:s5], [sflag:$0x2], $0x10000, $0x38;
	[tilespmem:$0x10200] =	vst v63  }
0xc1: {  	s0 =	sshrl.u32 s1, $0x3;
	_ =	swait.ge [sflag:s4], $0x10000  }
0xc2: {  	s30 =	sadd.s32 s30, s0;
	s0 =	ssub.s32 $0x2, s31;
	[sflag:s4] =	ssyncset.done $0x0  }
0xc3: {  	s31 =	sshrl.u32 s0, $0x1;
	[sflag:s4] =	ssyncadd.s32 $0xFFFF0000  }
0xc4: {  	[tilespmem:s3], [sflag:$0x2] =	stream.linear.gather [hbm4b:s30+s3], $0x200, $0x38;
	[tilespmem:$0x10200] =	vst v63  }
0xc5: {  	s0 =	ssub.s32 s0, s31;
	_ =	swait.ge [sflag:s4], $0x200  }
0xc6: {  	s0 =	smax.u32 s0, $0x1;
	[sflag:s4] =	ssyncset.done $0x0  }
0xc7: {  	p0 =	sne.s32 s0, $0x1;
	[sflag:s4] =	ssyncadd.s32 $0xFFFFFE00  }
0xc8: {  	[tilespmem:s5], [sflag:$0x1] =	stream.indirect.gather [hbm4b:s2+s5], $0x80, s3, s5, $0xb8;
	[tilespmem:$0x10200] =	vst v63  }
.Ltmp0:
0xc9: {  	_ =	swait.ge [sflag:s6], $0x10000;
	(pc) =	sbr.rel @!p0 .LBB2_2-.Ltmp0, $4  }
0xca: {  	s1 =	sshll.u32 s1, $0x4;
	[sflag:s6] =	ssyncset.done $0x0;
	s31 =	rddreg [dreg:$0xb]  }
0xcb: {  	s31 =	sadd.s32 s31, s1;
	[sflag:s6] =	ssyncadd.s32 $0xFFFF0000  }
0xcc: {  	[hbm4b:s31+s3] =	stream.linear.scatter [tilespmem:s5], [sflag:$0x2], $0x10000, $0x38;
	[tilespmem:$0x10200] =	vst v63  }
0xcd: {  	s0 =	sadd.s32 $0xFFFFFFFF, s0;
	_ =	swait.ge [sflag:s4], $0x10000  }
.LBB2_1:
0xce: {  	[sflag:s4] =	ssyncset.done $0x0  }
0xcf: {  	s1 =	rddreg [dreg:$0x3];
	[sflag:s4] =	ssyncadd.s32 $0xFFFF0000  }
0xd0: {  	[tilespmem:s3], [sflag:$0x2] =	stream.linear.gather [hbm4b:s1+s3], $0x200, $0x38;
	[tilespmem:$0x10200] =	vst v63  }
0xd1: {  	_ =	swait.ge [sflag:s4], $0x200  }
0xd2: {  	[sflag:s4] =	ssyncset.done $0x0  }
0xd3: {  	[sflag:s4] =	ssyncadd.s32 $0xFFFFFE00  }
0xd4: {  	[tilespmem:s5], [sflag:$0x1] =	stream.indirect.gather [hbm4b:s2+s5], $0x80, s3, s5, $0xb8;
	[tilespmem:$0x10200] =	vst v63  }
0xd5: {  	_ =	swait.ge [sflag:s6], $0x10000  }
0xd6: {  	[sflag:s6] =	ssyncset.done $0x0  }
0xd7: {  	s1 =	rddreg [dreg:$0x4];
	[sflag:s6] =	ssyncadd.s32 $0xFFFF0000  }
0xd8: {  	[hbm4b:s1+s3] =	stream.linear.scatter [tilespmem:s5], [sflag:$0x2], $0x10000, $0x38;
	[tilespmem:$0x10200] =	vst v63  }
0xd9: {  	_ =	swait.ge [sflag:s4], $0x10000  }
0xda: {  	[sflag:s4] =	ssyncset.done $0x0  }
0xdb: {  	s1 =	rddreg [dreg:$0x5];
	[sflag:s4] =	ssyncadd.s32 $0xFFFF0000  }
0xdc: {  	[tilespmem:s3], [sflag:$0x2] =	stream.linear.gather [hbm4b:s1+s3], $0x200, $0x38;
	[tilespmem:$0x10200] =	vst v63  }
0xdd: {  	_ =	swait.ge [sflag:s4], $0x200  }
0xde: {  	[sflag:s4] =	ssyncset.done $0x0  }
0xdf: {  	[sflag:s4] =	ssyncadd.s32 $0xFFFFFE00  }
0xe0: {  	[tilespmem:s5], [sflag:$0x1] =	stream.indirect.gather [hbm4b:s2+s5], $0x80, s3, s5, $0xb8;
	[tilespmem:$0x10200] =	vst v63  }
0xe1: {  	_ =	swait.ge [sflag:s6], $0x10000  }
0xe2: {  	[sflag:s6] =	ssyncset.done $0x0  }
0xe3: {  	s1 =	rddreg [dreg:$0x6];
	[sflag:s6] =	ssyncadd.s32 $0xFFFF0000  }
0xe4: {  	[hbm4b:s1+s3] =	stream.linear.scatter [tilespmem:s5], [sflag:$0x2], $0x10000, $0x38;
	[tilespmem:$0x10200] =	vst v63  }
0xe5: {  	_ =	swait.ge [sflag:s4], $0x10000  }
0xe6: {  	[sflag:s4] =	ssyncset.done $0x0  }
0xe7: {  	s1 =	rddreg [dreg:$0x7];
	[sflag:s4] =	ssyncadd.s32 $0xFFFF0000  }
0xe8: {  	[tilespmem:s3], [sflag:$0x2] =	stream.linear.gather [hbm4b:s1+s3], $0x200, $0x38;
	[tilespmem:$0x10200] =	vst v63  }
0xe9: {  	_ =	swait.ge [sflag:s4], $0x200  }
0xea: {  	[sflag:s4] =	ssyncset.done $0x0  }
0xeb: {  	[sflag:s4] =	ssyncadd.s32 $0xFFFFFE00  }
0xec: {  	[tilespmem:s5], [sflag:$0x1] =	stream.indirect.gather [hbm4b:s2+s5], $0x80, s3, s5, $0xb8;
	[tilespmem:$0x10200] =	vst v63  }
0xed: {  	_ =	swait.ge [sflag:s6], $0x10000  }
0xee: {  	[sflag:s6] =	ssyncset.done $0x0  }
0xef: {  	s1 =	rddreg [dreg:$0x8];
	[sflag:s6] =	ssyncadd.s32 $0xFFFF0000  }
0xf0: {  	[hbm4b:s1+s3] =	stream.linear.scatter [tilespmem:s5], [sflag:$0x2], $0x10000, $0x38;
	[tilespmem:$0x10200] =	vst v63  }
0xf1: {  	_ =	swait.ge [sflag:s4], $0x10000  }
0xf2: {  	[sflag:s4] =	ssyncset.done $0x0  }
0xf3: {  	s1 =	rddreg [dreg:$0x9];
	[sflag:s4] =	ssyncadd.s32 $0xFFFF0000  }
0xf4: {  	[tilespmem:s3], [sflag:$0x2] =	stream.linear.gather [hbm4b:s1+s3], $0x200, $0x38;
	[tilespmem:$0x10200] =	vst v63  }
0xf5: {  	_ =	swait.ge [sflag:s4], $0x200  }
0xf6: {  	[sflag:s4] =	ssyncset.done $0x0  }
0xf7: {  	[sflag:s4] =	ssyncadd.s32 $0xFFFFFE00  }
0xf8: {  	[tilespmem:s5], [sflag:$0x1] =	stream.indirect.gather [hbm4b:s2+s5], $0x80, s3, s5, $0xb8;
	[tilespmem:$0x10200] =	vst v63  }
0xf9: {  	_ =	swait.ge [sflag:s6], $0x10000  }
0xfa: {  	[sflag:s6] =	ssyncset.done $0x0  }
0xfb: {  	s1 =	rddreg [dreg:$0xa];
	[sflag:s6] =	ssyncadd.s32 $0xFFFF0000  }
0xfc: {  	[hbm4b:s1+s3] =	stream.linear.scatter [tilespmem:s5], [sflag:$0x2], $0x10000, $0x38;
	[tilespmem:$0x10200] =	vst v63  }
0xfd: {  	_ =	swait.ge [sflag:s4], $0x10000  }
0xfe: {  	[sflag:s4] =	ssyncset.done $0x0  }
0xff: {  	[sflag:s4] =	ssyncadd.s32 $0xFFFF0000  }
0x100: {  	[tilespmem:s3], [sflag:$0x2] =	stream.linear.gather [hbm4b:s7+s3], $0x200, $0x38;
	[tilespmem:$0x10200] =	vst v63  }
0x101: {  	_ =	swait.ge [sflag:s4], $0x200  }
0x102: {  	[sflag:s4] =	ssyncset.done $0x0  }
0x103: {  	[sflag:s4] =	ssyncadd.s32 $0xFFFFFE00  }
0x104: {  	[tilespmem:s5], [sflag:$0x1] =	stream.indirect.gather [hbm4b:s2+s5], $0x80, s3, s5, $0xb8;
	[tilespmem:$0x10200] =	vst v63  }
0x105: {  	_ =	swait.ge [sflag:s6], $0x10000  }
0x106: {  	[sflag:s6] =	ssyncset.done $0x0  }
0x107: {  	[sflag:s6] =	ssyncadd.s32 $0xFFFF0000  }
0x108: {  	[hbm4b:s8+s3] =	stream.linear.scatter [tilespmem:s5], [sflag:$0x2], $0x10000, $0x38;
	[tilespmem:$0x10200] =	vst v63  }
0x109: {  	_ =	swait.ge [sflag:s4], $0x10000  }
0x10a: {  	[sflag:s4] =	ssyncset.done $0x0  }
0x10b: {  	[sflag:s4] =	ssyncadd.s32 $0xFFFF0000  }
0x10c: {  	[tilespmem:s3], [sflag:$0x2] =	stream.linear.gather [hbm4b:s9+s3], $0x200, $0x38;
	[tilespmem:$0x10200] =	vst v63  }
0x10d: {  	_ =	swait.ge [sflag:s4], $0x200  }
0x10e: {  	[sflag:s4] =	ssyncset.done $0x0  }
0x10f: {  	[sflag:s4] =	ssyncadd.s32 $0xFFFFFE00  }
0x110: {  	[tilespmem:s5], [sflag:$0x1] =	stream.indirect.gather [hbm4b:s2+s5], $0x80, s3, s5, $0xb8;
	[tilespmem:$0x10200] =	vst v63  }
0x111: {  	_ =	swait.ge [sflag:s6], $0x10000  }
0x112: {  	[sflag:s6] =	ssyncset.done $0x0  }
0x113: {  	[sflag:s6] =	ssyncadd.s32 $0xFFFF0000  }
0x114: {  	[hbm4b:s10+s3] =	stream.linear.scatter [tilespmem:s5], [sflag:$0x2], $0x10000, $0x38;
	[tilespmem:$0x10200] =	vst v63  }
0x115: {  	_ =	swait.ge [sflag:s4], $0x10000  }
0x116: {  	[sflag:s4] =	ssyncset.done $0x0  }
0x117: {  	[sflag:s4] =	ssyncadd.s32 $0xFFFF0000  }
0x118: {  	[tilespmem:s3], [sflag:$0x2] =	stream.linear.gather [hbm4b:s11+s3], $0x200, $0x38;
	[tilespmem:$0x10200] =	vst v63  }
0x119: {  	_ =	swait.ge [sflag:s4], $0x200  }
0x11a: {  	[sflag:s4] =	ssyncset.done $0x0  }
0x11b: {  	[sflag:s4] =	ssyncadd.s32 $0xFFFFFE00  }
0x11c: {  	[tilespmem:s5], [sflag:$0x1] =	stream.indirect.gather [hbm4b:s2+s5], $0x80, s3, s5, $0xb8;
	[tilespmem:$0x10200] =	vst v63  }
0x11d: {  	_ =	swait.ge [sflag:s6], $0x10000  }
0x11e: {  	[sflag:s6] =	ssyncset.done $0x0  }
0x11f: {  	[sflag:s6] =	ssyncadd.s32 $0xFFFF0000  }
0x120: {  	[hbm4b:s12+s3] =	stream.linear.scatter [tilespmem:s5], [sflag:$0x2], $0x10000, $0x38;
	[tilespmem:$0x10200] =	vst v63  }
0x121: {  	_ =	swait.ge [sflag:s4], $0x10000  }
0x122: {  	[sflag:s4] =	ssyncset.done $0x0  }
0x123: {  	[sflag:s4] =	ssyncadd.s32 $0xFFFF0000  }
0x124: {  	[tilespmem:s3], [sflag:$0x2] =	stream.linear.gather [hbm4b:s13+s3], $0x200, $0x38;
	[tilespmem:$0x10200] =	vst v63  }
0x125: {  	_ =	swait.ge [sflag:s4], $0x200  }
0x126: {  	[sflag:s4] =	ssyncset.done $0x0  }
0x127: {  	[sflag:s4] =	ssyncadd.s32 $0xFFFFFE00  }
0x128: {  	[tilespmem:s5], [sflag:$0x1] =	stream.indirect.gather [hbm4b:s2+s5], $0x80, s3, s5, $0xb8;
	[tilespmem:$0x10200] =	vst v63  }
0x129: {  	_ =	swait.ge [sflag:s6], $0x10000  }
0x12a: {  	[sflag:s6] =	ssyncset.done $0x0  }
0x12b: {  	[sflag:s6] =	ssyncadd.s32 $0xFFFF0000  }
0x12c: {  	[hbm4b:s14+s3] =	stream.linear.scatter [tilespmem:s5], [sflag:$0x2], $0x10000, $0x38;
	[tilespmem:$0x10200] =	vst v63  }
0x12d: {  	_ =	swait.ge [sflag:s4], $0x10000  }
0x12e: {  	[sflag:s4] =	ssyncset.done $0x0  }
0x12f: {  	[sflag:s4] =	ssyncadd.s32 $0xFFFF0000  }
0x130: {  	[tilespmem:s3], [sflag:$0x2] =	stream.linear.gather [hbm4b:s15+s3], $0x200, $0x38;
	[tilespmem:$0x10200] =	vst v63  }
0x131: {  	_ =	swait.ge [sflag:s4], $0x200  }
0x132: {  	[sflag:s4] =	ssyncset.done $0x0  }
0x133: {  	[sflag:s4] =	ssyncadd.s32 $0xFFFFFE00  }
0x134: {  	[tilespmem:s5], [sflag:$0x1] =	stream.indirect.gather [hbm4b:s2+s5], $0x80, s3, s5, $0xb8;
	[tilespmem:$0x10200] =	vst v63  }
0x135: {  	_ =	swait.ge [sflag:s6], $0x10000  }
0x136: {  	[sflag:s6] =	ssyncset.done $0x0  }
0x137: {  	[sflag:s6] =	ssyncadd.s32 $0xFFFF0000  }
0x138: {  	[hbm4b:s16+s3] =	stream.linear.scatter [tilespmem:s5], [sflag:$0x2], $0x10000, $0x38;
	[tilespmem:$0x10200] =	vst v63  }
0x139: {  	_ =	swait.ge [sflag:s4], $0x10000  }
0x13a: {  	[sflag:s4] =	ssyncset.done $0x0  }
0x13b: {  	[sflag:s4] =	ssyncadd.s32 $0xFFFF0000  }
0x13c: {  	[tilespmem:s3], [sflag:$0x2] =	stream.linear.gather [hbm4b:s17+s3], $0x200, $0x38;
	[tilespmem:$0x10200] =	vst v63  }
0x13d: {  	_ =	swait.ge [sflag:s4], $0x200  }
0x13e: {  	[sflag:s4] =	ssyncset.done $0x0  }
0x13f: {  	[sflag:s4] =	ssyncadd.s32 $0xFFFFFE00  }
0x140: {  	[tilespmem:s5], [sflag:$0x1] =	stream.indirect.gather [hbm4b:s2+s5], $0x80, s3, s5, $0xb8;
	[tilespmem:$0x10200] =	vst v63  }
0x141: {  	_ =	swait.ge [sflag:s6], $0x10000  }
0x142: {  	[sflag:s6] =	ssyncset.done $0x0  }
0x143: {  	[sflag:s6] =	ssyncadd.s32 $0xFFFF0000  }
0x144: {  	[hbm4b:s18+s3] =	stream.linear.scatter [tilespmem:s5], [sflag:$0x2], $0x10000, $0x38;
	[tilespmem:$0x10200] =	vst v63  }
0x145: {  	_ =	swait.ge [sflag:s4], $0x10000  }
0x146: {  	[sflag:s4] =	ssyncset.done $0x0  }
0x147: {  	[sflag:s4] =	ssyncadd.s32 $0xFFFF0000  }
0x148: {  	[tilespmem:s3], [sflag:$0x2] =	stream.linear.gather [hbm4b:s19+s3], $0x200, $0x38;
	[tilespmem:$0x10200] =	vst v63  }
0x149: {  	_ =	swait.ge [sflag:s4], $0x200  }
0x14a: {  	[sflag:s4] =	ssyncset.done $0x0  }
0x14b: {  	[sflag:s4] =	ssyncadd.s32 $0xFFFFFE00  }
0x14c: {  	[tilespmem:s5], [sflag:$0x1] =	stream.indirect.gather [hbm4b:s2+s5], $0x80, s3, s5, $0xb8;
	[tilespmem:$0x10200] =	vst v63  }
0x14d: {  	_ =	swait.ge [sflag:s6], $0x10000  }
0x14e: {  	[sflag:s6] =	ssyncset.done $0x0  }
0x14f: {  	[sflag:s6] =	ssyncadd.s32 $0xFFFF0000  }
0x150: {  	[hbm4b:s20+s3] =	stream.linear.scatter [tilespmem:s5], [sflag:$0x2], $0x10000, $0x38;
	[tilespmem:$0x10200] =	vst v63  }
0x151: {  	_ =	swait.ge [sflag:s4], $0x10000  }
0x152: {  	[sflag:s4] =	ssyncset.done $0x0  }
0x153: {  	[sflag:s4] =	ssyncadd.s32 $0xFFFF0000  }
0x154: {  	[tilespmem:s3], [sflag:$0x2] =	stream.linear.gather [hbm4b:s21+s3], $0x200, $0x38;
	[tilespmem:$0x10200] =	vst v63  }
0x155: {  	_ =	swait.ge [sflag:s4], $0x200  }
0x156: {  	[sflag:s4] =	ssyncset.done $0x0  }
0x157: {  	[sflag:s4] =	ssyncadd.s32 $0xFFFFFE00  }
0x158: {  	[tilespmem:s5], [sflag:$0x1] =	stream.indirect.gather [hbm4b:s2+s5], $0x80, s3, s5, $0xb8;
	[tilespmem:$0x10200] =	vst v63  }
0x159: {  	_ =	swait.ge [sflag:s6], $0x10000  }
0x15a: {  	[sflag:s6] =	ssyncset.done $0x0  }
0x15b: {  	[sflag:s6] =	ssyncadd.s32 $0xFFFF0000  }
0x15c: {  	[hbm4b:s22+s3] =	stream.linear.scatter [tilespmem:s5], [sflag:$0x2], $0x10000, $0x38;
	[tilespmem:$0x10200] =	vst v63  }
0x15d: {  	_ =	swait.ge [sflag:s4], $0x10000  }
0x15e: {  	[sflag:s4] =	ssyncset.done $0x0  }
0x15f: {  	[sflag:s4] =	ssyncadd.s32 $0xFFFF0000  }
0x160: {  	[tilespmem:s3], [sflag:$0x2] =	stream.linear.gather [hbm4b:s23+s3], $0x200, $0x38;
	[tilespmem:$0x10200] =	vst v63  }
0x161: {  	_ =	swait.ge [sflag:s4], $0x200  }
0x162: {  	[sflag:s4] =	ssyncset.done $0x0  }
0x163: {  	[sflag:s4] =	ssyncadd.s32 $0xFFFFFE00  }
0x164: {  	[tilespmem:s5], [sflag:$0x1] =	stream.indirect.gather [hbm4b:s2+s5], $0x80, s3, s5, $0xb8;
	[tilespmem:$0x10200] =	vst v63  }
0x165: {  	_ =	swait.ge [sflag:s6], $0x10000  }
0x166: {  	[sflag:s6] =	ssyncset.done $0x0  }
0x167: {  	[sflag:s6] =	ssyncadd.s32 $0xFFFF0000  }
0x168: {  	[hbm4b:s24+s3] =	stream.linear.scatter [tilespmem:s5], [sflag:$0x2], $0x10000, $0x38;
	[tilespmem:$0x10200] =	vst v63  }
0x169: {  	_ =	swait.ge [sflag:s4], $0x10000  }
0x16a: {  	[sflag:s4] =	ssyncset.done $0x0  }
0x16b: {  	[sflag:s4] =	ssyncadd.s32 $0xFFFF0000  }
0x16c: {  	[tilespmem:s3], [sflag:$0x2] =	stream.linear.gather [hbm4b:s25+s3], $0x200, $0x38;
	[tilespmem:$0x10200] =	vst v63  }
0x16d: {  	_ =	swait.ge [sflag:s4], $0x200  }
0x16e: {  	[sflag:s4] =	ssyncset.done $0x0  }
0x16f: {  	[sflag:s4] =	ssyncadd.s32 $0xFFFFFE00  }
0x170: {  	[tilespmem:s5], [sflag:$0x1] =	stream.indirect.gather [hbm4b:s2+s5], $0x80, s3, s5, $0xb8;
	[tilespmem:$0x10200] =	vst v63  }
0x171: {  	_ =	swait.ge [sflag:s6], $0x10000  }
0x172: {  	[sflag:s6] =	ssyncset.done $0x0  }
0x173: {  	[sflag:s6] =	ssyncadd.s32 $0xFFFF0000  }
0x174: {  	[hbm4b:s26+s3] =	stream.linear.scatter [tilespmem:s5], [sflag:$0x2], $0x10000, $0x38;
	[tilespmem:$0x10200] =	vst v63  }
0x175: {  	_ =	swait.ge [sflag:s4], $0x10000  }
0x176: {  	[sflag:s4] =	ssyncset.done $0x0  }
0x177: {  	[sflag:s4] =	ssyncadd.s32 $0xFFFF0000  }
0x178: {  	[tilespmem:s3], [sflag:$0x2] =	stream.linear.gather [hbm4b:s28+s3], $0x200, $0x38;
	[tilespmem:$0x10200] =	vst v63  }
0x179: {  	_ =	swait.ge [sflag:s4], $0x200  }
0x17a: {  	[sflag:s4] =	ssyncset.done $0x0  }
0x17b: {  	[sflag:s4] =	ssyncadd.s32 $0xFFFFFE00  }
0x17c: {  	[tilespmem:s5], [sflag:$0x1] =	stream.indirect.gather [hbm4b:s2+s5], $0x80, s3, s5, $0xb8;
	[tilespmem:$0x10200] =	vst v63  }
0x17d: {  	_ =	swait.ge [sflag:s6], $0x10000  }
0x17e: {  	[sflag:s6] =	ssyncset.done $0x0  }
0x17f: {  	[sflag:s6] =	ssyncadd.s32 $0xFFFF0000  }
0x180: {  	[hbm4b:s29+s3] =	stream.linear.scatter [tilespmem:s5], [sflag:$0x2], $0x10000, $0x38;
	[tilespmem:$0x10200] =	vst v63  }
0x181: {  	_ =	swait.ge [sflag:s4], $0x10000  }
0x182: {  	[sflag:s4] =	ssyncset.done $0x0  }
0x183: {  	[sflag:s4] =	ssyncadd.s32 $0xFFFF0000  }
0x184: {  	[tilespmem:s3], [sflag:$0x2] =	stream.linear.gather [hbm4b:s30+s3], $0x200, $0x38;
	[tilespmem:$0x10200] =	vst v63  }
0x185: {  	_ =	swait.ge [sflag:s4], $0x200  }
0x186: {  	[sflag:s4] =	ssyncset.done $0x0  }
0x187: {  	p0 =	sne.s32 s0, $0x1;
	[sflag:s4] =	ssyncadd.s32 $0xFFFFFE00  }
0x188: {  	[tilespmem:s5], [sflag:$0x1] =	stream.indirect.gather [hbm4b:s2+s5], $0x80, s3, s5, $0xb8;
	[tilespmem:$0x10200] =	vst v63  }
.Ltmp1:
0x189: {  	_ =	swait.ge [sflag:s6], $0x10000;
	(pc) =	sbr.rel @p0 .LBB2_1-.Ltmp1, $4  }
0x18a: {  	[sflag:s6] =	ssyncset.done $0x0  }
0x18b: {  	[sflag:s6] =	ssyncadd.s32 $0xFFFF0000  }
0x18c: {  	[hbm4b:s31+s3] =	stream.linear.scatter [tilespmem:s5], [sflag:$0x2], $0x10000, $0x38;
	[tilespmem:$0x10200] =	vst v63  }
0x18d: {  	s0 =	sadd.s32 $0xFFFFFFFF, s0;
	_ =	swait.ge [sflag:s4], $0x10000  }
.LBB2_2:
0x18e: {  	[sflag:s4] =	ssyncset.done $0x0  }
0x18f: {  	[sflag:s4] =	ssyncadd.s32 $0xFFFF0000  }
0x190: {  	_ =	sfence.sel $0x180000  }
0x191: {  	[bflag:$0x0] =	sbarrier.arrive $0xFFFF  }
0x192: {  	_ =	strace $0x90000047  }
0x193: {  	s0 =	stileid.u32;
	[bflag:$0x2] =	sbarrier.arrive $0xFFFF  }
0x194: {  	p0 =	sne.s32 s0, $0x0;
	s0 =	rddreg [dreg:$0x2]  }
0x195: {  	s0 =	sadd.s32 @!p0 $0x100000, s0  }
0x196: {  	[sflag:s0] =	ssyncadd.tile.s32 @!p0 $0x1;
	_ =	shalt  }
.Lfunc_end2:
_tile_overlayer_lowered:
.L_overlay_start_2:
0x197: {  	(tag) =	ssettag $0x2  }
0x198: {  	s0 =	rddreg [dreg:$0x0];
	s2 =	stileid.u32  }
0x199: {  	s1 =	rddreg [dreg:$0x1];
	p0 =	sne.s32 s2, $0x0  }
0x19a: {  	s3 =	rddreg [dreg:$0x2];
	[bflag:$0x3] =	sbarrier.arrive $0xFFFF;
	s2 =	simm.s32 @!p0 $0x1C02  }
0x19b: {  	[timem:s3], [sflag:s2] =	dma.local @!p0 [hbm:s0], s1  }
0x19c: {  	s0 =	simm.s32 @!p0 $0x2  }
0x19d: {  	_ =	swait.ge @!p0 [sflag:s0], s1  }
0x19e: {  	s1 =	ssub.s32 @!p0 $0x0, s1;
	[sflag:s0] =	ssyncset.done @!p0 $0x0  }
0x19f: {  	[sflag:s0] =	ssyncadd.s32 @!p0 s1  }
0x1a0: {  	[bflag:$0x3] =	sbarrier.arrive $0xFFFF  }
0x1a1: {  	_ =	shalt  }

</sc_bundles>
